<compile_context>
chip_gen: v7x
topology: tpu7x:2x2x1
jax: 0.10.2.dev20260603
libtpu: 0.0.44.dev20260713+nightly
codegen_flags: <defaults>
</compile_context>

<pallas_src>
import functools

import jax
import jax.numpy as jnp
from jax import lax
from jax.experimental import pallas as pl
from jax.experimental.pallas import tpu as pltpu
from jax.experimental.pallas import tpu_sc as plsc

N = 10000
D = 128
E = 320000
N_LAYER = 3

NC = 2
NS = 16
NW = NC * NS
C = 128

N_PAD = 10240
ROWS_PER_TILE = N_PAD // NS
EDGES_PER_TILE = -(-E // (NW * C)) * C
NCHUNK = EDGES_PER_TILE // C
E_PAD = EDGES_PER_TILE * NW


def _sc_layer_body(x_hbm, srcp_hbm, dstp_hbm, zeros2d_hbm, zeros1d_hbm,
                   ones_hbm, part_hbm, cnt_hbm,
                   acc, cntacc, dst_t, s0, s1, rows0, rows1, ones_v,
                   gsem0, gsem1, ssem0, ssem1):
    cid = lax.axis_index("c")
    sid = lax.axis_index("s")
    wid = cid * NS + sid

    row0 = sid * ROWS_PER_TILE
    pltpu.sync_copy(zeros2d_hbm, acc.at[pl.ds(row0, ROWS_PER_TILE)])
    pltpu.sync_copy(zeros1d_hbm, cntacc.at[pl.ds(row0, ROWS_PER_TILE)])
    pltpu.sync_copy(dstp_hbm.at[wid], dst_t)
    pltpu.sync_copy(ones_hbm, ones_v)
    plsc.subcore_barrier()

    def fire_src(j, buf, sem):
        pltpu.async_copy(srcp_hbm.at[wid, pl.ds(j, 1)], buf, sem)

    def swait(j, buf, sem):
        pltpu.make_async_copy(srcp_hbm.at[wid, pl.ds(j, 1)], buf, sem).wait()

    def fire_gather(buf, idx, sem):
        pltpu.async_copy(x_hbm.at[idx.at[0]], buf, sem)

    def gwait(buf, idx, sem):
        pltpu.make_async_copy(x_hbm.at[idx.at[0]], buf, sem).wait()

    def scat(j, buf):
        pltpu.sync_copy(buf, acc.at[dst_t.at[j]], add=True)
        pltpu.sync_copy(ones_v, cntacc.at[dst_t.at[j]], add=True)

    last = NCHUNK - 1
    fire_src(0, s0, ssem0)
    fire_src(1, s1, ssem1)
    swait(0, s0, ssem0)
    fire_gather(rows0, s0, gsem0)

    def pair(i, carry):
        j0 = 2 * i
        gwait(rows0, s0, gsem0)
        swait(j0 + 1, s1, ssem1)
        fire_gather(rows1, s1, gsem1)
        fire_src(j0 + 2, s0, ssem0)
        scat(j0, rows0)
        gwait(rows1, s1, gsem1)
        swait(j0 + 2, s0, ssem0)
        fire_gather(rows0, s0, gsem0)
        fire_src(jnp.minimum(j0 + 3, last), s1, ssem1)
        scat(j0 + 1, rows1)
        return carry

    lax.fori_loop(0, (NCHUNK - 1) // 2, pair, 0)
    gwait(rows0, s0, gsem0)
    swait(last, s1, ssem1)
    scat(last, rows0)
    plsc.subcore_barrier()

    pltpu.sync_copy(acc.at[pl.ds(row0, ROWS_PER_TILE)],
                    part_hbm.at[cid, pl.ds(row0, ROWS_PER_TILE)])
    pltpu.sync_copy(cntacc.at[pl.ds(row0, ROWS_PER_TILE)],
                    cnt_hbm.at[cid, pl.ds(row0, ROWS_PER_TILE)])


@jax.jit
def _sc_layer(x, srcp, dstp, zeros2d, zeros1d, ones):
    mesh = plsc.VectorSubcoreMesh(core_axis_name="c", subcore_axis_name="s",
                                  num_cores=NC, num_subcores=NS)
    f = pl.kernel(
        _sc_layer_body,
        out_type=(jax.ShapeDtypeStruct((NC, N_PAD, D), jnp.float32),
                  jax.ShapeDtypeStruct((NC, N_PAD), jnp.float32)),
        mesh=mesh,
        scratch_types=[
            pltpu.VMEM_SHARED((N_PAD, D), jnp.float32),
            pltpu.VMEM_SHARED((N_PAD,), jnp.float32),
            pltpu.VMEM((NCHUNK, C), jnp.int32),
            pltpu.VMEM((1, C), jnp.int32),
            pltpu.VMEM((1, C), jnp.int32),
            pltpu.VMEM((C, D), jnp.float32),
            pltpu.VMEM((C, D), jnp.float32),
            pltpu.VMEM((C,), jnp.float32),
            pltpu.SemaphoreType.DMA,
            pltpu.SemaphoreType.DMA,
            pltpu.SemaphoreType.DMA,
            pltpu.SemaphoreType.DMA,
        ],
    )
    return f(x, srcp, dstp, zeros2d, zeros1d, ones)


def _combine_body(p_ref, x_ref, cnt_ref, o_ref):
    total = p_ref[0] + p_ref[1] + x_ref[...]
    cnt = jnp.sum(cnt_ref[...], axis=1) + 1.0
    o_ref[...] = total / cnt[:, None]


@jax.jit
def _combine(part, x, cnt):
    blk = 400
    grid = N // blk
    return pl.pallas_call(
        _combine_body,
        grid=(grid,),
        in_specs=[
            pl.BlockSpec((NC, blk, D), lambda i: (0, i, 0)),
            pl.BlockSpec((blk, D), lambda i: (i, 0)),
            pl.BlockSpec((blk, NC), lambda i: (i, 0)),
        ],
        out_specs=pl.BlockSpec((blk, D), lambda i: (i, 0)),
        out_shape=jax.ShapeDtypeStruct((N, D), jnp.float32),
    )(part, x, cnt)


def kernel(x, edge_index):
    src = edge_index[0]
    dst = edge_index[1]
    pad = E_PAD - E
    srcp = jnp.concatenate([src, jnp.zeros((pad,), jnp.int32)])
    dstp = jnp.concatenate([dst, jnp.full((pad,), N_PAD - 8, jnp.int32)])
    srcp = srcp.reshape(NW, NCHUNK, C)
    dstp = dstp.reshape(NW, NCHUNK, C)
    zeros2d = jnp.zeros((ROWS_PER_TILE, D), jnp.float32)
    zeros1d = jnp.zeros((ROWS_PER_TILE,), jnp.float32)
    ones = jnp.ones((C,), jnp.float32)

    embeds = [x]
    for _ in range(N_LAYER):
        part, cnt = _sc_layer(embeds[-1], srcp, dstp, zeros2d, zeros1d, ones)
        embeds.append(_combine(part, embeds[-1], cnt.T))
    return tuple(embeds)

# --- scband reference (transcript-rebuilt; emitter-appended) ---
"""Pipeline reference for scband-simple-backbone-70188355551855 (READ-ONLY COPY).

The authoritative reference and input builder live on the scoring server;
editing this copy changes nothing except your own understanding.
"""

import jax, jax.numpy as jnp
import numpy as np

N = 10000
D = 128
E = 320000
N_LAYER = 3


def setup_inputs(seed: int = 0) -> dict:
    key = jax.random.key(seed)
    k1, k2 = jax.random.split(key)
    x = jax.random.normal(k1, (N, D), dtype=jnp.float32)
    edge_index = jax.random.randint(k2, (2, E), 0, N, dtype=jnp.int32)
    return {"x": x, "edge_index": edge_index}


def _simple_conv_mean_selfloop(x, src, dst):
    # PyG SimpleConv(aggr='mean', combine_root='self_loop'):
    # add self-loops, gather source features, mean-aggregate at destination.
    n = x.shape[0]
    loop = jnp.arange(n, dtype=src.dtype)
    s = jnp.concatenate([src, loop], axis=0)
    d = jnp.concatenate([dst, loop], axis=0)
    msg = jnp.take(x, s, axis=0)
    summed = jax.ops.segment_sum(msg, d, num_segments=n)
    cnt = jax.ops.segment_sum(jnp.ones((d.shape[0],), dtype=x.dtype), d, num_segments=n)
    cnt = jnp.clip(cnt, 1.0)
    return summed / cnt[:, None]


def reference(x, edge_index):
    # Simple_backbone.forward with keep_init=True, use_cache=False, norm=None (identity)
    src = edge_index[0]
    dst = edge_index[1]
    embed_list = [x]
    for _ in range(N_LAYER):
        embed = _simple_conv_mean_selfloop(embed_list[-1], src, dst)
        # norm is Identity (norm=None)
        embed_list.append(embed)
    return tuple(embed_list)

if __name__ == "__main__":
    import jax
    _d = setup_inputs()
    print(jax.jit(kernel)(*tuple(_d.values())))

</pallas_src>

<mosaic_0001>
#map = affine_map<(d0, d1) -> (0, 0)>
#map1 = affine_map<(d0, d1) -> (0, 0, 0)>
#map2 = affine_map<(d0, d1) -> (0)>
module attributes {stable_mosaic.version = 14 : i64} {
  func.func @_sc_layer_body(%arg0: i32, %arg1: i32, %arg2: memref<10000x128xf32, #tpu.memory_space<hbm>>, %arg3: memref<32x79x128xi32, #tpu.memory_space<hbm>>, %arg4: memref<32x79x128xi32, #tpu.memory_space<hbm>>, %arg5: memref<640x128xf32, #tpu.memory_space<hbm>>, %arg6: memref<640xf32, #tpu.memory_space<hbm>>, %arg7: memref<128xf32, #tpu.memory_space<hbm>>, %arg8: memref<2x10240x128xf32, #tpu.memory_space<hbm>>, %arg9: memref<2x10240xf32, #tpu.memory_space<hbm>>, %arg10: memref<10240x128xf32, #tpu.memory_space<vmem_shared>>, %arg11: memref<10240xf32, #tpu.memory_space<vmem_shared>>, %arg12: memref<79x128xi32, #tpu.memory_space<vmem>>, %arg13: memref<1x128xi32, #tpu.memory_space<vmem>>, %arg14: memref<1x128xi32, #tpu.memory_space<vmem>>, %arg15: memref<128x128xf32, #tpu.memory_space<vmem>>, %arg16: memref<128x128xf32, #tpu.memory_space<vmem>>, %arg17: memref<128xf32, #tpu.memory_space<vmem>>, %arg18: memref<!tpu.dma_semaphore, #tpu.memory_space<semaphore_mem>>, %arg19: memref<!tpu.dma_semaphore, #tpu.memory_space<semaphore_mem>>, %arg20: memref<!tpu.dma_semaphore, #tpu.memory_space<semaphore_mem>>, %arg21: memref<!tpu.dma_semaphore, #tpu.memory_space<semaphore_mem>>) attributes {dimension_semantics = [#tpu.dimension_semantics<core_parallel>, #tpu.dimension_semantics<subcore_parallel>], iteration_bounds = array<i64: 2, 16>, scalar_prefetch = 0 : i64, scratch_operands = 12 : i64, tpu.core_type = #tpu.core_type<sc_vector_subcore>, window_params = [{transform_indices = #map}, {transform_indices = #map1}, {transform_indices = #map1}, {transform_indices = #map}, {transform_indices = #map2}, {transform_indices = #map2}, {transform_indices = #map1}, {transform_indices = #map}]} {
    %mul3A = arith.constant 16 : i32
    %mul3A_0 = arith.muli %arg0, %mul3A : i32
    %add3A = arith.addi %mul3A_0, %arg1 : i32
    %mul3A_1 = arith.constant 640 : i32
    %mul3A_2 = arith.muli %arg1, %mul3A_1 : i32
    "tpu.region"() ({
      %run_scoped3A_54 = tpu.sem_alloc : memref<!tpu.dma_semaphore, #tpu.memory_space<semaphore_mem>>
      %dma_start3A_55 = arith.constant 0 : i32
      %dma_start3A_56 = tpu.memref_slice %arg10[%mul3A_2, %dma_start3A_55] : memref<10240x128xf32, #tpu.memory_space<vmem_shared>> -> memref<640x128xf32, #tpu.memory_space<vmem_shared>>
      tpu.enqueue_dma source(%arg5 : memref<640x128xf32, #tpu.memory_space<hbm>>) target(%dma_start3A_56 : memref<640x128xf32, #tpu.memory_space<vmem_shared>>) target_semaphore(%run_scoped3A_54 : memref<!tpu.dma_semaphore, #tpu.memory_space<semaphore_mem>>)
      %dma_wait3A_57 = arith.constant 0 : i32
      %dma_wait3A_58 = tpu.memref_slice %arg10[%mul3A_2, %dma_wait3A_57] : memref<10240x128xf32, #tpu.memory_space<vmem_shared>> -> memref<640x128xf32, #tpu.memory_space<vmem_shared>>
      tpu.wait_dma2 semaphore(%run_scoped3A_54 : memref<!tpu.dma_semaphore, #tpu.memory_space<semaphore_mem>>) src(%arg5 : memref<640x128xf32, #tpu.memory_space<hbm>>) dst(%dma_wait3A_58 : memref<640x128xf32, #tpu.memory_space<vmem_shared>>)
      tpu.yield
    }) : () -> ()
    "tpu.region"() ({
      %run_scoped3A_54 = tpu.sem_alloc : memref<!tpu.dma_semaphore, #tpu.memory_space<semaphore_mem>>
      %dma_start3A_55 = tpu.memref_slice %arg11[%mul3A_2] : memref<10240xf32, #tpu.memory_space<vmem_shared>> -> memref<640xf32, #tpu.memory_space<vmem_shared>>
      tpu.enqueue_dma source(%arg6 : memref<640xf32, #tpu.memory_space<hbm>>) target(%dma_start3A_55 : memref<640xf32, #tpu.memory_space<vmem_shared>>) target_semaphore(%run_scoped3A_54 : memref<!tpu.dma_semaphore, #tpu.memory_space<semaphore_mem>>)
      %dma_wait3A_56 = tpu.memref_slice %arg11[%mul3A_2] : memref<10240xf32, #tpu.memory_space<vmem_shared>> -> memref<640xf32, #tpu.memory_space<vmem_shared>>
      tpu.wait_dma2 semaphore(%run_scoped3A_54 : memref<!tpu.dma_semaphore, #tpu.memory_space<semaphore_mem>>) src(%arg6 : memref<640xf32, #tpu.memory_space<hbm>>) dst(%dma_wait3A_56 : memref<640xf32, #tpu.memory_space<vmem_shared>>)
      tpu.yield
    }) : () -> ()
    "tpu.region"() ({
      %run_scoped3A_54 = tpu.sem_alloc : memref<!tpu.dma_semaphore, #tpu.memory_space<semaphore_mem>>
      %dma_start3A_55 = arith.constant 0 : i32
      %dma_start3A_56 = arith.constant 0 : i32
      %dma_start3A_57 = tpu.memref_slice %arg4[%add3A, %dma_start3A_55, %dma_start3A_56] : memref<32x79x128xi32, #tpu.memory_space<hbm>> -> memref<1x79x128xi32, #tpu.memory_space<hbm>>
      %dma_start3A_58 = tpu.memref_squeeze %dma_start3A_57 : memref<1x79x128xi32, #tpu.memory_space<hbm>> -> memref<79x128xi32, #tpu.memory_space<hbm>>
      %dma_start3A_59 = arith.constant 0 : i32
      %dma_start3A_60 = arith.constant 0 : i32
      %dma_start3A_61 = tpu.memref_slice %arg4[%add3A, %dma_start3A_59, %dma_start3A_60] : memref<32x79x128xi32, #tpu.memory_space<hbm>> -> memref<1x79x128xi32, #tpu.memory_space<hbm>>
      %dma_start3A_62 = tpu.memref_squeeze %dma_start3A_61 : memref<1x79x128xi32, #tpu.memory_space<hbm>> -> memref<79x128xi32, #tpu.memory_space<hbm>>
      tpu.enqueue_dma source(%dma_start3A_62 : memref<79x128xi32, #tpu.memory_space<hbm>>) target(%arg12 : memref<79x128xi32, #tpu.memory_space<vmem>>) target_semaphore(%run_scoped3A_54 : memref<!tpu.dma_semaphore, #tpu.memory_space<semaphore_mem>>)
      %dma_wait3A_63 = arith.constant 0 : i32
      %dma_wait3A_64 = arith.constant 0 : i32
      %dma_wait3A_65 = tpu.memref_slice %arg4[%add3A, %dma_wait3A_63, %dma_wait3A_64] : memref<32x79x128xi32, #tpu.memory_space<hbm>> -> memref<1x79x128xi32, #tpu.memory_space<hbm>>
      %dma_wait3A_66 = tpu.memref_squeeze %dma_wait3A_65 : memref<1x79x128xi32, #tpu.memory_space<hbm>> -> memref<79x128xi32, #tpu.memory_space<hbm>>
      %dma_wait3A_67 = arith.constant 0 : i32
      %dma_wait3A_68 = arith.constant 0 : i32
      %dma_wait3A_69 = tpu.memref_slice %arg4[%add3A, %dma_wait3A_67, %dma_wait3A_68] : memref<32x79x128xi32, #tpu.memory_space<hbm>> -> memref<1x79x128xi32, #tpu.memory_space<hbm>>
      %dma_wait3A_70 = tpu.memref_squeeze %dma_wait3A_69 : memref<1x79x128xi32, #tpu.memory_space<hbm>> -> memref<79x128xi32, #tpu.memory_space<hbm>>
      tpu.wait_dma2 semaphore(%run_scoped3A_54 : memref<!tpu.dma_semaphore, #tpu.memory_space<semaphore_mem>>) src(%dma_wait3A_70 : memref<79x128xi32, #tpu.memory_space<hbm>>) dst(%arg12 : memref<79x128xi32, #tpu.memory_space<vmem>>)
      tpu.yield
    }) : () -> ()
    "tpu.region"() ({
      %run_scoped3A_54 = tpu.sem_alloc : memref<!tpu.dma_semaphore, #tpu.memory_space<semaphore_mem>>
      tpu.enqueue_dma source(%arg7 : memref<128xf32, #tpu.memory_space<hbm>>) target(%arg17 : memref<128xf32, #tpu.memory_space<vmem>>) target_semaphore(%run_scoped3A_54 : memref<!tpu.dma_semaphore, #tpu.memory_space<semaphore_mem>>)
      tpu.wait_dma2 semaphore(%run_scoped3A_54 : memref<!tpu.dma_semaphore, #tpu.memory_space<semaphore_mem>>) src(%arg7 : memref<128xf32, #tpu.memory_space<hbm>>) dst(%arg17 : memref<128xf32, #tpu.memory_space<vmem>>)
      tpu.yield
    }) : () -> ()
    %barrier3A = arith.constant 0 : index
    tpu.barrier barrier_id(%barrier3A)
    %dma_start3A = arith.constant 0 : i32
    %dma_start3A_3 = arith.constant 0 : i32
    %dma_start3A_4 = tpu.memref_slice %arg3[%add3A, %dma_start3A, %dma_start3A_3] : memref<32x79x128xi32, #tpu.memory_space<hbm>> -> memref<1x1x128xi32, #tpu.memory_space<hbm>>
    %dma_start3A_5 = tpu.memref_squeeze %dma_start3A_4 : memref<1x1x128xi32, #tpu.memory_space<hbm>> -> memref<1x128xi32, #tpu.memory_space<hbm>>
    %dma_start3A_6 = arith.constant 0 : i32
    %dma_start3A_7 = arith.constant 0 : i32
    %dma_start3A_8 = tpu.memref_slice %arg3[%add3A, %dma_start3A_6, %dma_start3A_7] : memref<32x79x128xi32, #tpu.memory_space<hbm>> -> memref<1x1x128xi32, #tpu.memory_space<hbm>>
    %dma_start3A_9 = tpu.memref_squeeze %dma_start3A_8 : memref<1x1x128xi32, #tpu.memory_space<hbm>> -> memref<1x128xi32, #tpu.memory_space<hbm>>
    tpu.enqueue_dma source(%dma_start3A_9 : memref<1x128xi32, #tpu.memory_space<hbm>>) target(%arg13 : memref<1x128xi32, #tpu.memory_space<vmem>>) target_semaphore(%arg20 : memref<!tpu.dma_semaphore, #tpu.memory_space<semaphore_mem>>)
    %dma_start3A_10 = arith.constant 1 : i32
    %dma_start3A_11 = arith.constant 0 : i32
    %dma_start3A_12 = tpu.memref_slice %arg3[%add3A, %dma_start3A_10, %dma_start3A_11] : memref<32x79x128xi32, #tpu.memory_space<hbm>> -> memref<1x1x128xi32, #tpu.memory_space<hbm>>
    %dma_start3A_13 = tpu.memref_squeeze %dma_start3A_12 : memref<1x1x128xi32, #tpu.memory_space<hbm>> -> memref<1x128xi32, #tpu.memory_space<hbm>>
    %dma_start3A_14 = arith.constant 1 : i32
    %dma_start3A_15 = arith.constant 0 : i32
    %dma_start3A_16 = tpu.memref_slice %arg3[%add3A, %dma_start3A_14, %dma_start3A_15] : memref<32x79x128xi32, #tpu.memory_space<hbm>> -> memref<1x1x128xi32, #tpu.memory_space<hbm>>
    %dma_start3A_17 = tpu.memref_squeeze %dma_start3A_16 : memref<1x1x128xi32, #tpu.memory_space<hbm>> -> memref<1x128xi32, #tpu.memory_space<hbm>>
    tpu.enqueue_dma source(%dma_start3A_17 : memref<1x128xi32, #tpu.memory_space<hbm>>) target(%arg14 : memref<1x128xi32, #tpu.memory_space<vmem>>) target_semaphore(%arg21 : memref<!tpu.dma_semaphore, #tpu.memory_space<semaphore_mem>>)
    %dma_wait3A = arith.constant 0 : i32
    %dma_wait3A_18 = arith.constant 0 : i32
    %dma_wait3A_19 = tpu.memref_slice %arg3[%add3A, %dma_wait3A, %dma_wait3A_18] : memref<32x79x128xi32, #tpu.memory_space<hbm>> -> memref<1x1x128xi32, #tpu.memory_space<hbm>>
    %dma_wait3A_20 = tpu.memref_squeeze %dma_wait3A_19 : memref<1x1x128xi32, #tpu.memory_space<hbm>> -> memref<1x128xi32, #tpu.memory_space<hbm>>
    %dma_wait3A_21 = arith.constant 0 : i32
    %dma_wait3A_22 = arith.constant 0 : i32
    %dma_wait3A_23 = tpu.memref_slice %arg3[%add3A, %dma_wait3A_21, %dma_wait3A_22] : memref<32x79x128xi32, #tpu.memory_space<hbm>> -> memref<1x1x128xi32, #tpu.memory_space<hbm>>
    %dma_wait3A_24 = tpu.memref_squeeze %dma_wait3A_23 : memref<1x1x128xi32, #tpu.memory_space<hbm>> -> memref<1x128xi32, #tpu.memory_space<hbm>>
    tpu.wait_dma2 semaphore(%arg20 : memref<!tpu.dma_semaphore, #tpu.memory_space<semaphore_mem>>) src(%dma_wait3A_24 : memref<1x128xi32, #tpu.memory_space<hbm>>) dst(%arg13 : memref<1x128xi32, #tpu.memory_space<vmem>>)
    %dma_start3A_25 = arith.constant 0 : i32
    %dma_start3A_26 = arith.constant 0 : i32
    %dma_start3A_27 = tpu.memref_slice %arg13[%dma_start3A_25, %dma_start3A_26] : memref<1x128xi32, #tpu.memory_space<vmem>> -> memref<1x128xi32, #tpu.memory_space<vmem>>
    %dma_start3A_28 = tpu.memref_squeeze %dma_start3A_27 : memref<1x128xi32, #tpu.memory_space<vmem>> -> memref<128xi32, #tpu.memory_space<vmem>>
    %dma_start3A_29 = arith.constant 0 : i32
    %dma_start3A_30 = arith.constant 0 : i32
    %dma_start3A_31 = tpu.memref_slice %arg2[%dma_start3A_29, %dma_start3A_30] : memref<10000x128xf32, #tpu.memory_space<hbm>> -> memref<10000x128xf32, #tpu.memory_space<hbm>>
    tpu.enqueue_indirect_dma source(%dma_start3A_31 : memref<10000x128xf32, #tpu.memory_space<hbm>>) target(%arg15 : memref<128x128xf32, #tpu.memory_space<vmem>>) offsets(%dma_start3A_28 : memref<128xi32, #tpu.memory_space<vmem>>) semaphore(%arg18 : memref<!tpu.dma_semaphore, #tpu.memory_space<semaphore_mem>>)
    %scan3A = arith.constant 0 : i32
    %scan3A_32 = arith.constant 0 : i32
    %scan3A_33 = arith.constant 39 : i32
    %scan3A_34 = arith.addi %scan3A_32, %scan3A_33 : i32
    %scan3A_35 = arith.constant 1 : i32
    scf.for %scan3A_54 = %scan3A_32 to %scan3A_34 step %scan3A_35  : i32 {
      %mul3A_55 = arith.constant 2 : i32
      %mul3A_56 = arith.muli %mul3A_55, %scan3A_54 : i32
      %dma_wait3A_57 = arith.constant 0 : i32
      %dma_wait3A_58 = arith.constant 0 : i32
      %dma_wait3A_59 = tpu.memref_slice %arg13[%dma_wait3A_57, %dma_wait3A_58] : memref<1x128xi32, #tpu.memory_space<vmem>> -> memref<1x128xi32, #tpu.memory_space<vmem>>
      %dma_wait3A_60 = tpu.memref_squeeze %dma_wait3A_59 : memref<1x128xi32, #tpu.memory_space<vmem>> -> memref<128xi32, #tpu.memory_space<vmem>>
      %dma_wait3A_61 = arith.constant 0 : i32
      %dma_wait3A_62 = arith.constant 0 : i32
      %dma_wait3A_63 = tpu.memref_slice %arg2[%dma_wait3A_61, %dma_wait3A_62] : memref<10000x128xf32, #tpu.memory_space<hbm>> -> memref<10000x128xf32, #tpu.memory_space<hbm>>
      tpu.wait_indirect_dma semaphore(%arg18 : memref<!tpu.dma_semaphore, #tpu.memory_space<semaphore_mem>>) src(%dma_wait3A_63 : memref<10000x128xf32, #tpu.memory_space<hbm>>) dst(%arg15 : memref<128x128xf32, #tpu.memory_space<vmem>>)
      %add3A_64 = arith.constant 1 : i32
      %add3A_65 = arith.addi %mul3A_56, %add3A_64 : i32
      %dma_wait3A_66 = arith.constant 0 : i32
      %dma_wait3A_67 = tpu.memref_slice %arg3[%add3A, %add3A_65, %dma_wait3A_66] : memref<32x79x128xi32, #tpu.memory_space<hbm>> -> memref<1x1x128xi32, #tpu.memory_space<hbm>>
      %dma_wait3A_68 = tpu.memref_squeeze %dma_wait3A_67 : memref<1x1x128xi32, #tpu.memory_space<hbm>> -> memref<1x128xi32, #tpu.memory_space<hbm>>
      %dma_wait3A_69 = arith.constant 0 : i32
      %dma_wait3A_70 = tpu.memref_slice %arg3[%add3A, %add3A_65, %dma_wait3A_69] : memref<32x79x128xi32, #tpu.memory_space<hbm>> -> memref<1x1x128xi32, #tpu.memory_space<hbm>>
      %dma_wait3A_71 = tpu.memref_squeeze %dma_wait3A_70 : memref<1x1x128xi32, #tpu.memory_space<hbm>> -> memref<1x128xi32, #tpu.memory_space<hbm>>
      tpu.wait_dma2 semaphore(%arg21 : memref<!tpu.dma_semaphore, #tpu.memory_space<semaphore_mem>>) src(%dma_wait3A_71 : memref<1x128xi32, #tpu.memory_space<hbm>>) dst(%arg14 : memref<1x128xi32, #tpu.memory_space<vmem>>)
      %dma_start3A_72 = arith.constant 0 : i32
      %dma_start3A_73 = arith.constant 0 : i32
      %dma_start3A_74 = tpu.memref_slice %arg14[%dma_start3A_72, %dma_start3A_73] : memref<1x128xi32, #tpu.memory_space<vmem>> -> memref<1x128xi32, #tpu.memory_space<vmem>>
      %dma_start3A_75 = tpu.memref_squeeze %dma_start3A_74 : memref<1x128xi32, #tpu.memory_space<vmem>> -> memref<128xi32, #tpu.memory_space<vmem>>
      %dma_start3A_76 = arith.constant 0 : i32
      %dma_start3A_77 = arith.constant 0 : i32
      %dma_start3A_78 = tpu.memref_slice %arg2[%dma_start3A_76, %dma_start3A_77] : memref<10000x128xf32, #tpu.memory_space<hbm>> -> memref<10000x128xf32, #tpu.memory_space<hbm>>
      tpu.enqueue_indirect_dma source(%dma_start3A_78 : memref<10000x128xf32, #tpu.memory_space<hbm>>) target(%arg16 : memref<128x128xf32, #tpu.memory_space<vmem>>) offsets(%dma_start3A_75 : memref<128xi32, #tpu.memory_space<vmem>>) semaphore(%arg19 : memref<!tpu.dma_semaphore, #tpu.memory_space<semaphore_mem>>)
      %add3A_79 = arith.constant 2 : i32
      %add3A_80 = arith.addi %mul3A_56, %add3A_79 : i32
      %dma_start3A_81 = arith.constant 0 : i32
      %dma_start3A_82 = tpu.memref_slice %arg3[%add3A, %add3A_80, %dma_start3A_81] : memref<32x79x128xi32, #tpu.memory_space<hbm>> -> memref<1x1x128xi32, #tpu.memory_space<hbm>>
      %dma_start3A_83 = tpu.memref_squeeze %dma_start3A_82 : memref<1x1x128xi32, #tpu.memory_space<hbm>> -> memref<1x128xi32, #tpu.memory_space<hbm>>
      %dma_start3A_84 = arith.constant 0 : i32
      %dma_start3A_85 = tpu.memref_slice %arg3[%add3A, %add3A_80, %dma_start3A_84] : memref<32x79x128xi32, #tpu.memory_space<hbm>> -> memref<1x1x128xi32, #tpu.memory_space<hbm>>
      %dma_start3A_86 = tpu.memref_squeeze %dma_start3A_85 : memref<1x1x128xi32, #tpu.memory_space<hbm>> -> memref<1x128xi32, #tpu.memory_space<hbm>>
      tpu.enqueue_dma source(%dma_start3A_86 : memref<1x128xi32, #tpu.memory_space<hbm>>) target(%arg13 : memref<1x128xi32, #tpu.memory_space<vmem>>) target_semaphore(%arg20 : memref<!tpu.dma_semaphore, #tpu.memory_space<semaphore_mem>>)
      "tpu.region"() ({
        %run_scoped3A_120 = tpu.sem_alloc : memref<!tpu.dma_semaphore, #tpu.memory_space<semaphore_mem>>
        %dma_start3A_121 = arith.constant 0 : i32
        %dma_start3A_122 = tpu.memref_slice %arg12[%mul3A_56, %dma_start3A_121] : memref<79x128xi32, #tpu.memory_space<vmem>> -> memref<1x128xi32, #tpu.memory_space<vmem>>
        %dma_start3A_123 = tpu.memref_squeeze %dma_start3A_122 : memref<1x128xi32, #tpu.memory_space<vmem>> -> memref<128xi32, #tpu.memory_space<vmem>>
        %dma_start3A_124 = arith.constant 0 : i32
        %dma_start3A_125 = arith.constant 0 : i32
        %dma_start3A_126 = tpu.memref_slice %arg10[%dma_start3A_124, %dma_start3A_125] : memref<10240x128xf32, #tpu.memory_space<vmem_shared>> -> memref<10240x128xf32, #tpu.memory_space<vmem_shared>>
        tpu.enqueue_indirect_dma source(%arg15 : memref<128x128xf32, #tpu.memory_space<vmem>>) target(%dma_start3A_126 : memref<10240x128xf32, #tpu.memory_space<vmem_shared>>) offsets(%dma_start3A_123 : memref<128xi32, #tpu.memory_space<vmem>>) semaphore(%run_scoped3A_120 : memref<!tpu.dma_semaphore, #tpu.memory_space<semaphore_mem>>) {add = true}
        %dma_wait3A_127 = arith.constant 0 : i32
        %dma_wait3A_128 = tpu.memref_slice %arg12[%mul3A_56, %dma_wait3A_127] : memref<79x128xi32, #tpu.memory_space<vmem>> -> memref<1x128xi32, #tpu.memory_space<vmem>>
        %dma_wait3A_129 = tpu.memref_squeeze %dma_wait3A_128 : memref<1x128xi32, #tpu.memory_space<vmem>> -> memref<128xi32, #tpu.memory_space<vmem>>
        %dma_wait3A_130 = arith.constant 0 : i32
        %dma_wait3A_131 = arith.constant 0 : i32
        %dma_wait3A_132 = tpu.memref_slice %arg10[%dma_wait3A_130, %dma_wait3A_131] : memref<10240x128xf32, #tpu.memory_space<vmem_shared>> -> memref<10240x128xf32, #tpu.memory_space<vmem_shared>>
        tpu.wait_indirect_dma semaphore(%run_scoped3A_120 : memref<!tpu.dma_semaphore, #tpu.memory_space<semaphore_mem>>) src(%arg15 : memref<128x128xf32, #tpu.memory_space<vmem>>) dst(%dma_wait3A_132 : memref<10240x128xf32, #tpu.memory_space<vmem_shared>>)
        tpu.yield
      }) : () -> ()
      "tpu.region"() ({
        %run_scoped3A_120 = tpu.sem_alloc : memref<!tpu.dma_semaphore, #tpu.memory_space<semaphore_mem>>
        %dma_start3A_121 = arith.constant 0 : i32
        %dma_start3A_122 = tpu.memref_slice %arg12[%mul3A_56, %dma_start3A_121] : memref<79x128xi32, #tpu.memory_space<vmem>> -> memref<1x128xi32, #tpu.memory_space<vmem>>
        %dma_start3A_123 = tpu.memref_squeeze %dma_start3A_122 : memref<1x128xi32, #tpu.memory_space<vmem>> -> memref<128xi32, #tpu.memory_space<vmem>>
        %dma_start3A_124 = arith.constant 0 : i32
        %dma_start3A_125 = tpu.memref_slice %arg11[%dma_start3A_124] : memref<10240xf32, #tpu.memory_space<vmem_shared>> -> memref<10240xf32, #tpu.memory_space<vmem_shared>>
        tpu.enqueue_indirect_dma source(%arg17 : memref<128xf32, #tpu.memory_space<vmem>>) target(%dma_start3A_125 : memref<10240xf32, #tpu.memory_space<vmem_shared>>) offsets(%dma_start3A_123 : memref<128xi32, #tpu.memory_space<vmem>>) semaphore(%run_scoped3A_120 : memref<!tpu.dma_semaphore, #tpu.memory_space<semaphore_mem>>) {add = true}
        %dma_wait3A_126 = arith.constant 0 : i32
        %dma_wait3A_127 = tpu.memref_slice %arg12[%mul3A_56, %dma_wait3A_126] : memref<79x128xi32, #tpu.memory_space<vmem>> -> memref<1x128xi32, #tpu.memory_space<vmem>>
        %dma_wait3A_128 = tpu.memref_squeeze %dma_wait3A_127 : memref<1x128xi32, #tpu.memory_space<vmem>> -> memref<128xi32, #tpu.memory_space<vmem>>
        %dma_wait3A_129 = arith.constant 0 : i32
        %dma_wait3A_130 = tpu.memref_slice %arg11[%dma_wait3A_129] : memref<10240xf32, #tpu.memory_space<vmem_shared>> -> memref<10240xf32, #tpu.memory_space<vmem_shared>>
        tpu.wait_indirect_dma semaphore(%run_scoped3A_120 : memref<!tpu.dma_semaphore, #tpu.memory_space<semaphore_mem>>) src(%arg17 : memref<128xf32, #tpu.memory_space<vmem>>) dst(%dma_wait3A_130 : memref<10240xf32, #tpu.memory_space<vmem_shared>>)
        tpu.yield
      }) : () -> ()
      %dma_wait3A_87 = arith.constant 0 : i32
      %dma_wait3A_88 = arith.constant 0 : i32
      %dma_wait3A_89 = tpu.memref_slice %arg14[%dma_wait3A_87, %dma_wait3A_88] : memref<1x128xi32, #tpu.memory_space<vmem>> -> memref<1x128xi32, #tpu.memory_space<vmem>>
      %dma_wait3A_90 = tpu.memref_squeeze %dma_wait3A_89 : memref<1x128xi32, #tpu.memory_space<vmem>> -> memref<128xi32, #tpu.memory_space<vmem>>
      %dma_wait3A_91 = arith.constant 0 : i32
      %dma_wait3A_92 = arith.constant 0 : i32
      %dma_wait3A_93 = tpu.memref_slice %arg2[%dma_wait3A_91, %dma_wait3A_92] : memref<10000x128xf32, #tpu.memory_space<hbm>> -> memref<10000x128xf32, #tpu.memory_space<hbm>>
      tpu.wait_indirect_dma semaphore(%arg19 : memref<!tpu.dma_semaphore, #tpu.memory_space<semaphore_mem>>) src(%dma_wait3A_93 : memref<10000x128xf32, #tpu.memory_space<hbm>>) dst(%arg16 : memref<128x128xf32, #tpu.memory_space<vmem>>)
      %add3A_94 = arith.constant 2 : i32
      %add3A_95 = arith.addi %mul3A_56, %add3A_94 : i32
      %dma_wait3A_96 = arith.constant 0 : i32
      %dma_wait3A_97 = tpu.memref_slice %arg3[%add3A, %add3A_95, %dma_wait3A_96] : memref<32x79x128xi32, #tpu.memory_space<hbm>> -> memref<1x1x128xi32, #tpu.memory_space<hbm>>
      %dma_wait3A_98 = tpu.memref_squeeze %dma_wait3A_97 : memref<1x1x128xi32, #tpu.memory_space<hbm>> -> memref<1x128xi32, #tpu.memory_space<hbm>>
      %dma_wait3A_99 = arith.constant 0 : i32
      %dma_wait3A_100 = tpu.memref_slice %arg3[%add3A, %add3A_95, %dma_wait3A_99] : memref<32x79x128xi32, #tpu.memory_space<hbm>> -> memref<1x1x128xi32, #tpu.memory_space<hbm>>
      %dma_wait3A_101 = tpu.memref_squeeze %dma_wait3A_100 : memref<1x1x128xi32, #tpu.memory_space<hbm>> -> memref<1x128xi32, #tpu.memory_space<hbm>>
      tpu.wait_dma2 semaphore(%arg20 : memref<!tpu.dma_semaphore, #tpu.memory_space<semaphore_mem>>) src(%dma_wait3A_101 : memref<1x128xi32, #tpu.memory_space<hbm>>) dst(%arg13 : memref<1x128xi32, #tpu.memory_space<vmem>>)
      %dma_start3A_102 = arith.constant 0 : i32
      %dma_start3A_103 = arith.constant 0 : i32
      %dma_start3A_104 = tpu.memref_slice %arg13[%dma_start3A_102, %dma_start3A_103] : memref<1x128xi32, #tpu.memory_space<vmem>> -> memref<1x128xi32, #tpu.memory_space<vmem>>
      %dma_start3A_105 = tpu.memref_squeeze %dma_start3A_104 : memref<1x128xi32, #tpu.memory_space<vmem>> -> memref<128xi32, #tpu.memory_space<vmem>>
      %dma_start3A_106 = arith.constant 0 : i32
      %dma_start3A_107 = arith.constant 0 : i32
      %dma_start3A_108 = tpu.memref_slice %arg2[%dma_start3A_106, %dma_start3A_107] : memref<10000x128xf32, #tpu.memory_space<hbm>> -> memref<10000x128xf32, #tpu.memory_space<hbm>>
      tpu.enqueue_indirect_dma source(%dma_start3A_108 : memref<10000x128xf32, #tpu.memory_space<hbm>>) target(%arg15 : memref<128x128xf32, #tpu.memory_space<vmem>>) offsets(%dma_start3A_105 : memref<128xi32, #tpu.memory_space<vmem>>) semaphore(%arg18 : memref<!tpu.dma_semaphore, #tpu.memory_space<semaphore_mem>>)
      %add3A_109 = arith.constant 3 : i32
      %add3A_110 = arith.addi %mul3A_56, %add3A_109 : i32
      %min3A = arith.constant 78 : i32
      %min3A_111 = arith.minsi %add3A_110, %min3A : i32
      %dma_start3A_112 = arith.constant 0 : i32
      %dma_start3A_113 = tpu.memref_slice %arg3[%add3A, %min3A_111, %dma_start3A_112] : memref<32x79x128xi32, #tpu.memory_space<hbm>> -> memref<1x1x128xi32, #tpu.memory_space<hbm>>
      %dma_start3A_114 = tpu.memref_squeeze %dma_start3A_113 : memref<1x1x128xi32, #tpu.memory_space<hbm>> -> memref<1x128xi32, #tpu.memory_space<hbm>>
      %dma_start3A_115 = arith.constant 0 : i32
      %dma_start3A_116 = tpu.memref_slice %arg3[%add3A, %min3A_111, %dma_start3A_115] : memref<32x79x128xi32, #tpu.memory_space<hbm>> -> memref<1x1x128xi32, #tpu.memory_space<hbm>>
      %dma_start3A_117 = tpu.memref_squeeze %dma_start3A_116 : memref<1x1x128xi32, #tpu.memory_space<hbm>> -> memref<1x128xi32, #tpu.memory_space<hbm>>
      tpu.enqueue_dma source(%dma_start3A_117 : memref<1x128xi32, #tpu.memory_space<hbm>>) target(%arg14 : memref<1x128xi32, #tpu.memory_space<vmem>>) target_semaphore(%arg21 : memref<!tpu.dma_semaphore, #tpu.memory_space<semaphore_mem>>)
      %add3A_118 = arith.constant 1 : i32
      %add3A_119 = arith.addi %mul3A_56, %add3A_118 : i32
      "tpu.region"() ({
        %run_scoped3A_120 = tpu.sem_alloc : memref<!tpu.dma_semaphore, #tpu.memory_space<semaphore_mem>>
        %dma_start3A_121 = arith.constant 0 : i32
        %dma_start3A_122 = tpu.memref_slice %arg12[%add3A_119, %dma_start3A_121] : memref<79x128xi32, #tpu.memory_space<vmem>> -> memref<1x128xi32, #tpu.memory_space<vmem>>
        %dma_start3A_123 = tpu.memref_squeeze %dma_start3A_122 : memref<1x128xi32, #tpu.memory_space<vmem>> -> memref<128xi32, #tpu.memory_space<vmem>>
        %dma_start3A_124 = arith.constant 0 : i32
        %dma_start3A_125 = arith.constant 0 : i32
        %dma_start3A_126 = tpu.memref_slice %arg10[%dma_start3A_124, %dma_start3A_125] : memref<10240x128xf32, #tpu.memory_space<vmem_shared>> -> memref<10240x128xf32, #tpu.memory_space<vmem_shared>>
        tpu.enqueue_indirect_dma source(%arg16 : memref<128x128xf32, #tpu.memory_space<vmem>>) target(%dma_start3A_126 : memref<10240x128xf32, #tpu.memory_space<vmem_shared>>) offsets(%dma_start3A_123 : memref<128xi32, #tpu.memory_space<vmem>>) semaphore(%run_scoped3A_120 : memref<!tpu.dma_semaphore, #tpu.memory_space<semaphore_mem>>) {add = true}
        %dma_wait3A_127 = arith.constant 0 : i32
        %dma_wait3A_128 = tpu.memref_slice %arg12[%add3A_119, %dma_wait3A_127] : memref<79x128xi32, #tpu.memory_space<vmem>> -> memref<1x128xi32, #tpu.memory_space<vmem>>
        %dma_wait3A_129 = tpu.memref_squeeze %dma_wait3A_128 : memref<1x128xi32, #tpu.memory_space<vmem>> -> memref<128xi32, #tpu.memory_space<vmem>>
        %dma_wait3A_130 = arith.constant 0 : i32
        %dma_wait3A_131 = arith.constant 0 : i32
        %dma_wait3A_132 = tpu.memref_slice %arg10[%dma_wait3A_130, %dma_wait3A_131] : memref<10240x128xf32, #tpu.memory_space<vmem_shared>> -> memref<10240x128xf32, #tpu.memory_space<vmem_shared>>
        tpu.wait_indirect_dma semaphore(%run_scoped3A_120 : memref<!tpu.dma_semaphore, #tpu.memory_space<semaphore_mem>>) src(%arg16 : memref<128x128xf32, #tpu.memory_space<vmem>>) dst(%dma_wait3A_132 : memref<10240x128xf32, #tpu.memory_space<vmem_shared>>)
        tpu.yield
      }) : () -> ()
      "tpu.region"() ({
        %run_scoped3A_120 = tpu.sem_alloc : memref<!tpu.dma_semaphore, #tpu.memory_space<semaphore_mem>>
        %dma_start3A_121 = arith.constant 0 : i32
        %dma_start3A_122 = tpu.memref_slice %arg12[%add3A_119, %dma_start3A_121] : memref<79x128xi32, #tpu.memory_space<vmem>> -> memref<1x128xi32, #tpu.memory_space<vmem>>
        %dma_start3A_123 = tpu.memref_squeeze %dma_start3A_122 : memref<1x128xi32, #tpu.memory_space<vmem>> -> memref<128xi32, #tpu.memory_space<vmem>>
        %dma_start3A_124 = arith.constant 0 : i32
        %dma_start3A_125 = tpu.memref_slice %arg11[%dma_start3A_124] : memref<10240xf32, #tpu.memory_space<vmem_shared>> -> memref<10240xf32, #tpu.memory_space<vmem_shared>>
        tpu.enqueue_indirect_dma source(%arg17 : memref<128xf32, #tpu.memory_space<vmem>>) target(%dma_start3A_125 : memref<10240xf32, #tpu.memory_space<vmem_shared>>) offsets(%dma_start3A_123 : memref<128xi32, #tpu.memory_space<vmem>>) semaphore(%run_scoped3A_120 : memref<!tpu.dma_semaphore, #tpu.memory_space<semaphore_mem>>) {add = true}
        %dma_wait3A_126 = arith.constant 0 : i32
        %dma_wait3A_127 = tpu.memref_slice %arg12[%add3A_119, %dma_wait3A_126] : memref<79x128xi32, #tpu.memory_space<vmem>> -> memref<1x128xi32, #tpu.memory_space<vmem>>
        %dma_wait3A_128 = tpu.memref_squeeze %dma_wait3A_127 : memref<1x128xi32, #tpu.memory_space<vmem>> -> memref<128xi32, #tpu.memory_space<vmem>>
        %dma_wait3A_129 = arith.constant 0 : i32
        %dma_wait3A_130 = tpu.memref_slice %arg11[%dma_wait3A_129] : memref<10240xf32, #tpu.memory_space<vmem_shared>> -> memref<10240xf32, #tpu.memory_space<vmem_shared>>
        tpu.wait_indirect_dma semaphore(%run_scoped3A_120 : memref<!tpu.dma_semaphore, #tpu.memory_space<semaphore_mem>>) src(%arg17 : memref<128xf32, #tpu.memory_space<vmem>>) dst(%dma_wait3A_130 : memref<10240xf32, #tpu.memory_space<vmem_shared>>)
        tpu.yield
      }) : () -> ()
    }
    %scan3A_36 = arith.constant 39 : i32
    %dma_wait3A_37 = arith.constant 0 : i32
    %dma_wait3A_38 = arith.constant 0 : i32
    %dma_wait3A_39 = tpu.memref_slice %arg13[%dma_wait3A_37, %dma_wait3A_38] : memref<1x128xi32, #tpu.memory_space<vmem>> -> memref<1x128xi32, #tpu.memory_space<vmem>>
    %dma_wait3A_40 = tpu.memref_squeeze %dma_wait3A_39 : memref<1x128xi32, #tpu.memory_space<vmem>> -> memref<128xi32, #tpu.memory_space<vmem>>
    %dma_wait3A_41 = arith.constant 0 : i32
    %dma_wait3A_42 = arith.constant 0 : i32
    %dma_wait3A_43 = tpu.memref_slice %arg2[%dma_wait3A_41, %dma_wait3A_42] : memref<10000x128xf32, #tpu.memory_space<hbm>> -> memref<10000x128xf32, #tpu.memory_space<hbm>>
    tpu.wait_indirect_dma semaphore(%arg18 : memref<!tpu.dma_semaphore, #tpu.memory_space<semaphore_mem>>) src(%dma_wait3A_43 : memref<10000x128xf32, #tpu.memory_space<hbm>>) dst(%arg15 : memref<128x128xf32, #tpu.memory_space<vmem>>)
    %dma_wait3A_44 = arith.constant 78 : i32
    %dma_wait3A_45 = arith.constant 0 : i32
    %dma_wait3A_46 = tpu.memref_slice %arg3[%add3A, %dma_wait3A_44, %dma_wait3A_45] : memref<32x79x128xi32, #tpu.memory_space<hbm>> -> memref<1x1x128xi32, #tpu.memory_space<hbm>>
    %dma_wait3A_47 = tpu.memref_squeeze %dma_wait3A_46 : memref<1x1x128xi32, #tpu.memory_space<hbm>> -> memref<1x128xi32, #tpu.memory_space<hbm>>
    %dma_wait3A_48 = arith.constant 78 : i32
    %dma_wait3A_49 = arith.constant 0 : i32
    %dma_wait3A_50 = tpu.memref_slice %arg3[%add3A, %dma_wait3A_48, %dma_wait3A_49] : memref<32x79x128xi32, #tpu.memory_space<hbm>> -> memref<1x1x128xi32, #tpu.memory_space<hbm>>
    %dma_wait3A_51 = tpu.memref_squeeze %dma_wait3A_50 : memref<1x1x128xi32, #tpu.memory_space<hbm>> -> memref<1x128xi32, #tpu.memory_space<hbm>>
    tpu.wait_dma2 semaphore(%arg21 : memref<!tpu.dma_semaphore, #tpu.memory_space<semaphore_mem>>) src(%dma_wait3A_51 : memref<1x128xi32, #tpu.memory_space<hbm>>) dst(%arg14 : memref<1x128xi32, #tpu.memory_space<vmem>>)
    %run_scoped3A = arith.constant 78 : i32
    "tpu.region"() ({
      %run_scoped3A_54 = tpu.sem_alloc : memref<!tpu.dma_semaphore, #tpu.memory_space<semaphore_mem>>
      %dma_start3A_55 = arith.constant 0 : i32
      %dma_start3A_56 = tpu.memref_slice %arg12[%run_scoped3A, %dma_start3A_55] : memref<79x128xi32, #tpu.memory_space<vmem>> -> memref<1x128xi32, #tpu.memory_space<vmem>>
      %dma_start3A_57 = tpu.memref_squeeze %dma_start3A_56 : memref<1x128xi32, #tpu.memory_space<vmem>> -> memref<128xi32, #tpu.memory_space<vmem>>
      %dma_start3A_58 = arith.constant 0 : i32
      %dma_start3A_59 = arith.constant 0 : i32
      %dma_start3A_60 = tpu.memref_slice %arg10[%dma_start3A_58, %dma_start3A_59] : memref<10240x128xf32, #tpu.memory_space<vmem_shared>> -> memref<10240x128xf32, #tpu.memory_space<vmem_shared>>
      tpu.enqueue_indirect_dma source(%arg15 : memref<128x128xf32, #tpu.memory_space<vmem>>) target(%dma_start3A_60 : memref<10240x128xf32, #tpu.memory_space<vmem_shared>>) offsets(%dma_start3A_57 : memref<128xi32, #tpu.memory_space<vmem>>) semaphore(%run_scoped3A_54 : memref<!tpu.dma_semaphore, #tpu.memory_space<semaphore_mem>>) {add = true}
      %dma_wait3A_61 = arith.constant 0 : i32
      %dma_wait3A_62 = tpu.memref_slice %arg12[%run_scoped3A, %dma_wait3A_61] : memref<79x128xi32, #tpu.memory_space<vmem>> -> memref<1x128xi32, #tpu.memory_space<vmem>>
      %dma_wait3A_63 = tpu.memref_squeeze %dma_wait3A_62 : memref<1x128xi32, #tpu.memory_space<vmem>> -> memref<128xi32, #tpu.memory_space<vmem>>
      %dma_wait3A_64 = arith.constant 0 : i32
      %dma_wait3A_65 = arith.constant 0 : i32
      %dma_wait3A_66 = tpu.memref_slice %arg10[%dma_wait3A_64, %dma_wait3A_65] : memref<10240x128xf32, #tpu.memory_space<vmem_shared>> -> memref<10240x128xf32, #tpu.memory_space<vmem_shared>>
      tpu.wait_indirect_dma semaphore(%run_scoped3A_54 : memref<!tpu.dma_semaphore, #tpu.memory_space<semaphore_mem>>) src(%arg15 : memref<128x128xf32, #tpu.memory_space<vmem>>) dst(%dma_wait3A_66 : memref<10240x128xf32, #tpu.memory_space<vmem_shared>>)
      tpu.yield
    }) : () -> ()
    %run_scoped3A_52 = arith.constant 78 : i32
    "tpu.region"() ({
      %run_scoped3A_54 = tpu.sem_alloc : memref<!tpu.dma_semaphore, #tpu.memory_space<semaphore_mem>>
      %dma_start3A_55 = arith.constant 0 : i32
      %dma_start3A_56 = tpu.memref_slice %arg12[%run_scoped3A_52, %dma_start3A_55] : memref<79x128xi32, #tpu.memory_space<vmem>> -> memref<1x128xi32, #tpu.memory_space<vmem>>
      %dma_start3A_57 = tpu.memref_squeeze %dma_start3A_56 : memref<1x128xi32, #tpu.memory_space<vmem>> -> memref<128xi32, #tpu.memory_space<vmem>>
      %dma_start3A_58 = arith.constant 0 : i32
      %dma_start3A_59 = tpu.memref_slice %arg11[%dma_start3A_58] : memref<10240xf32, #tpu.memory_space<vmem_shared>> -> memref<10240xf32, #tpu.memory_space<vmem_shared>>
      tpu.enqueue_indirect_dma source(%arg17 : memref<128xf32, #tpu.memory_space<vmem>>) target(%dma_start3A_59 : memref<10240xf32, #tpu.memory_space<vmem_shared>>) offsets(%dma_start3A_57 : memref<128xi32, #tpu.memory_space<vmem>>) semaphore(%run_scoped3A_54 : memref<!tpu.dma_semaphore, #tpu.memory_space<semaphore_mem>>) {add = true}
      %dma_wait3A_60 = arith.constant 0 : i32
      %dma_wait3A_61 = tpu.memref_slice %arg12[%run_scoped3A_52, %dma_wait3A_60] : memref<79x128xi32, #tpu.memory_space<vmem>> -> memref<1x128xi32, #tpu.memory_space<vmem>>
      %dma_wait3A_62 = tpu.memref_squeeze %dma_wait3A_61 : memref<1x128xi32, #tpu.memory_space<vmem>> -> memref<128xi32, #tpu.memory_space<vmem>>
      %dma_wait3A_63 = arith.constant 0 : i32
      %dma_wait3A_64 = tpu.memref_slice %arg11[%dma_wait3A_63] : memref<10240xf32, #tpu.memory_space<vmem_shared>> -> memref<10240xf32, #tpu.memory_space<vmem_shared>>
      tpu.wait_indirect_dma semaphore(%run_scoped3A_54 : memref<!tpu.dma_semaphore, #tpu.memory_space<semaphore_mem>>) src(%arg17 : memref<128xf32, #tpu.memory_space<vmem>>) dst(%dma_wait3A_64 : memref<10240xf32, #tpu.memory_space<vmem_shared>>)
      tpu.yield
    }) : () -> ()
    %barrier3A_53 = arith.constant 0 : index
    tpu.barrier barrier_id(%barrier3A_53)
    "tpu.region"() ({
      %run_scoped3A_54 = tpu.sem_alloc : memref<!tpu.dma_semaphore, #tpu.memory_space<semaphore_mem>>
      %dma_start3A_55 = arith.constant 0 : i32
      %dma_start3A_56 = tpu.memref_slice %arg8[%arg0, %mul3A_2, %dma_start3A_55] : memref<2x10240x128xf32, #tpu.memory_space<hbm>> -> memref<1x640x128xf32, #tpu.memory_space<hbm>>
      %dma_start3A_57 = tpu.memref_squeeze %dma_start3A_56 : memref<1x640x128xf32, #tpu.memory_space<hbm>> -> memref<640x128xf32, #tpu.memory_space<hbm>>
      %dma_start3A_58 = arith.constant 0 : i32
      %dma_start3A_59 = tpu.memref_slice %arg10[%mul3A_2, %dma_start3A_58] : memref<10240x128xf32, #tpu.memory_space<vmem_shared>> -> memref<640x128xf32, #tpu.memory_space<vmem_shared>>
      tpu.enqueue_dma source(%dma_start3A_59 : memref<640x128xf32, #tpu.memory_space<vmem_shared>>) target(%dma_start3A_57 : memref<640x128xf32, #tpu.memory_space<hbm>>) target_semaphore(%run_scoped3A_54 : memref<!tpu.dma_semaphore, #tpu.memory_space<semaphore_mem>>)
      %dma_wait3A_60 = arith.constant 0 : i32
      %dma_wait3A_61 = tpu.memref_slice %arg8[%arg0, %mul3A_2, %dma_wait3A_60] : memref<2x10240x128xf32, #tpu.memory_space<hbm>> -> memref<1x640x128xf32, #tpu.memory_space<hbm>>
      %dma_wait3A_62 = tpu.memref_squeeze %dma_wait3A_61 : memref<1x640x128xf32, #tpu.memory_space<hbm>> -> memref<640x128xf32, #tpu.memory_space<hbm>>
      %dma_wait3A_63 = arith.constant 0 : i32
      %dma_wait3A_64 = tpu.memref_slice %arg10[%mul3A_2, %dma_wait3A_63] : memref<10240x128xf32, #tpu.memory_space<vmem_shared>> -> memref<640x128xf32, #tpu.memory_space<vmem_shared>>
      tpu.wait_dma2 semaphore(%run_scoped3A_54 : memref<!tpu.dma_semaphore, #tpu.memory_space<semaphore_mem>>) src(%dma_wait3A_64 : memref<640x128xf32, #tpu.memory_space<vmem_shared>>) dst(%dma_wait3A_62 : memref<640x128xf32, #tpu.memory_space<hbm>>)
      tpu.yield
    }) : () -> ()
    "tpu.region"() ({
      %run_scoped3A_54 = tpu.sem_alloc : memref<!tpu.dma_semaphore, #tpu.memory_space<semaphore_mem>>
      %dma_start3A_55 = tpu.memref_slice %arg9[%arg0, %mul3A_2] : memref<2x10240xf32, #tpu.memory_space<hbm>> -> memref<1x640xf32, #tpu.memory_space<hbm>>
      %dma_start3A_56 = tpu.memref_squeeze %dma_start3A_55 : memref<1x640xf32, #tpu.memory_space<hbm>> -> memref<640xf32, #tpu.memory_space<hbm>>
      %dma_start3A_57 = tpu.memref_slice %arg11[%mul3A_2] : memref<10240xf32, #tpu.memory_space<vmem_shared>> -> memref<640xf32, #tpu.memory_space<vmem_shared>>
      tpu.enqueue_dma source(%dma_start3A_57 : memref<640xf32, #tpu.memory_space<vmem_shared>>) target(%dma_start3A_56 : memref<640xf32, #tpu.memory_space<hbm>>) target_semaphore(%run_scoped3A_54 : memref<!tpu.dma_semaphore, #tpu.memory_space<semaphore_mem>>)
      %dma_wait3A_58 = tpu.memref_slice %arg9[%arg0, %mul3A_2] : memref<2x10240xf32, #tpu.memory_space<hbm>> -> memref<1x640xf32, #tpu.memory_space<hbm>>
      %dma_wait3A_59 = tpu.memref_squeeze %dma_wait3A_58 : memref<1x640xf32, #tpu.memory_space<hbm>> -> memref<640xf32, #tpu.memory_space<hbm>>
      %dma_wait3A_60 = tpu.memref_slice %arg11[%mul3A_2] : memref<10240xf32, #tpu.memory_space<vmem_shared>> -> memref<640xf32, #tpu.memory_space<vmem_shared>>
      tpu.wait_dma2 semaphore(%run_scoped3A_54 : memref<!tpu.dma_semaphore, #tpu.memory_space<semaphore_mem>>) src(%dma_wait3A_60 : memref<640xf32, #tpu.memory_space<vmem_shared>>) dst(%dma_wait3A_59 : memref<640xf32, #tpu.memory_space<hbm>>)
      tpu.yield
    }) : () -> ()
    return
  }
}

</mosaic_0001>

<sc_bundles>
// kernel: _sc_layer.3.cloned.1.call-start
scs
__scs_entry_jumppad:
0x0: {  	(pc) =	sbr.rel $0x88, $3  }
0x1: {  	(tag) =	ssettag $0x0;
	lr =	simm.s32 $0x1  }
0x2: {  	[smem:$0x3F9B] =	sst lr;
	_ =	strace $0xD0000000  }
0x3: {  	_ = 	snop  }
0x4: {  	_ = 	snop  }
0x5: {  	_ = 	snop  }
0x6: {  	_ = 	snop  }
0x7: {  	_ = 	snop  }
__scs_overlays_trampoline_lowered:
0x8: {  	[smem:$0x3FAA] =	sst s0  }
0x9: {  	[smem:$0x3FAB] =	sst s1  }
0xa: {  	[smem:$0x3FAC] =	sst s2  }
0xb: {  	[smem:$0x3FAD] =	sst s3  }
0xc: {  	[smem:$0x3FAE] =	sst s4  }
0xd: {  	[smem:$0x3FAF] =	sst s5  }
0xe: {  	[smem:$0x3FB0] =	sst s6  }
0xf: {  	[smem:$0x3FB1] =	sst s7  }
0x10: {  	[smem:$0x3FB2] =	sst s8  }
0x11: {  	[smem:$0x3FB3] =	sst s9;
	s0 =	simm.s32 @!p0 $0x0  }
0x12: {  	s1 =	sld [smem:$0x3F99];
	s0 =	simm.s32 @p0 $0x1  }
0x13: {  	[smem:$0x3FB4] =	sst s0;
	s0 =	simm.s32 @!p1 $0x0  }
0x14: {  	s2 =	sld [smem:$0x3F98];
	s0 =	simm.s32 @p1 $0x1  }
0x15: {  	[smem:$0x3FB5] =	sst s0;
	s0 =	simm.s32 @!p2 $0x0  }
0x16: {  	s3 =	sld [smem:$0x3FDB];
	s0 =	simm.s32 @p2 $0x1  }
0x17: {  	s4 =	simm.s32 $0x1BF5;
	[smem:$0x3FB7] =	sst s0  }
0x18: {  	s0 =	sld [smem:$0x3F9A];
	_ =	swait.ge [sflag:s4], $0x0  }
0x19: {  	s7 =	sld [smem:$0x3F9B]  }
0x1a: {  	s8 =	sadd.s32 $0xFFFFE003, lr  }
0x1b: {  	s9 =	sadd.s32 $0xFFFFFEF7, lr;
	s5 =	simm.s32 $0xFFFFFFFF;
	p2 =	slt.u32 s8, $0xFFFFF086  }
0x1c: {  	p1 =	slt.u32 s9, $0xF7A;
	s5 =	simm.s32 @!p2 $0x0  }
0x1d: {  	s5 =	simm.s32 @p1 $0x1;
	p0 =	seq.s32 s7, s2  }
0x1e: {  	s7 =	smul.u32 @!p0 $0xF7A, s2;
	p2 =	seq.s32 @!p0 s5, $0x0  }
0x1f: {  	s9 =	smul.u32 $0xF7A, s1;
	s8 =	simm.s32 @!p0 $0x1BF5;
	p2 =	por !p2, p0  }
0x20: {  	[sflag:s8] =	ssyncset.s32 @!p0 $0xFFFFF086;
	s6 =	sadd.s32 @!p0 s3, s7;
	s7 =	simm.s32 @!p0 $0x108  }
0x21: {  	s3 =	sadd.s32 s3, s9;
	s6 =	sadd.s32 @!p0 $0x88, s6;
	s7 =	simm.s32 @p2 $0x1082  }
0x22: {  	[simem:s7], [sflag:s8] =	dma.local @!p0 [hbm:s6], $0xF7A  }
0x23: {  	s9 =	sor.u32 $0xD0000000, s2;
	s6 =	simm.s32 $0x108;
	_ =	swait.ge @!p0 [sflag:s8], $0x0  }
0x24: {  	s3 =	sadd.s32 $0x88, s3;
	s6 =	simm.s32 @!p1 $0x1082;
	[sflag:s4] =	ssyncset.s32 $0xFFFFF086  }
0x25: {  	[simem:s6], [sflag:s4] =	dma.local [hbm:s3], $0xF7A  }
0x26: {  	[smem:$0x3F9B] =	sst s1;
	(tag) =	ssettag s2;
	_ =	strace s9  }
0x27: {  	s1 =	sld [smem:$0x3FAB]  }
0x28: {  	s2 =	sld [smem:$0x3FAC]  }
0x29: {  	s4 =	sld [smem:$0x3FAE]  }
0x2a: {  	p0 =	seq.s32 s5, $0x0;
	s5 =	sld [smem:$0x3FAF]  }
0x2b: {  	s6 =	sld [smem:$0x3FB0]  }
0x2c: {  	s7 =	sld [smem:$0x3FB1]  }
0x2d: {  	s3 =	simm.s32 $0x108;
	s8 =	sld [smem:$0x3FB2]  }
0x2e: {  	s3 =	simm.s32 @!p0 $0x1082;
	s9 =	sld [smem:$0x3FB3]  }
0x2f: {  	lr =	sadd.s32 s0, s3;
	s0 =	sld [smem:$0x3FAA]  }
0x30: {  	s3 =	sld [smem:$0x3FAD]  }
0x31: {  	[smem:$0x3FB6] =	sst s10  }
0x32: {  	s10 =	sld [smem:$0x3FB4];
	_ =	sdelay $0x3  }
0x33: {  	p0 =	seq.s32 s10, $0x1;
	s10 =	sld [smem:$0x3FB6];
	_ =	sdelay $0x3  }
0x34: {  	[smem:$0x3FB6] =	sst s10  }
0x35: {  	s10 =	sld [smem:$0x3FB5];
	_ =	sdelay $0x3  }
0x36: {  	p1 =	seq.s32 s10, $0x1;
	s10 =	sld [smem:$0x3FB6];
	_ =	sdelay $0x3  }
0x37: {  	[smem:$0x3FB6] =	sst s10  }
0x38: {  	s10 =	sld [smem:$0x3FB7]  }
0x39: {  	_ = 	snop;
	(pc) =	sbr.ind lr, $3  }
0x3a: {  	_ = 	snop  }
0x3b: {  	_ = 	snop  }
0x3c: {  	p2 =	seq.s32 s10, $0x1;
	s10 =	sld [smem:$0x3FB6]  }
0x3d: {  	_ =	shalt  }
0x3e: {  	_ =	shalt  }
0x3f: {  	_ =	shalt  }
0x40: {  	_ =	shalt  }
0x41: {  	_ =	shalt  }
0x42: {  	_ =	shalt  }
0x43: {  	_ =	shalt  }
0x44: {  	_ =	shalt  }
0x45: {  	_ =	shalt  }
0x46: {  	_ =	shalt  }
0x47: {  	_ =	shalt  }
0x48: {  	_ =	shalt  }
0x49: {  	_ =	shalt  }
0x4a: {  	_ =	shalt  }
0x4b: {  	_ =	shalt  }
0x4c: {  	_ =	shalt  }
0x4d: {  	_ =	shalt  }
0x4e: {  	_ =	shalt  }
0x4f: {  	_ =	shalt  }
0x50: {  	_ =	shalt  }
0x51: {  	_ =	shalt  }
0x52: {  	_ =	shalt  }
0x53: {  	_ =	shalt  }
0x54: {  	_ =	shalt  }
0x55: {  	_ =	shalt  }
0x56: {  	_ =	shalt  }
0x57: {  	_ =	shalt  }
0x58: {  	_ =	shalt  }
0x59: {  	_ =	shalt  }
0x5a: {  	_ =	shalt  }
0x5b: {  	_ =	shalt  }
0x5c: {  	_ =	shalt  }
0x5d: {  	_ =	shalt  }
0x5e: {  	_ =	shalt  }
0x5f: {  	_ =	shalt  }
0x60: {  	_ =	shalt  }
0x61: {  	_ =	shalt  }
0x62: {  	_ =	shalt  }
0x63: {  	_ =	shalt  }
0x64: {  	_ =	shalt  }
0x65: {  	_ =	shalt  }
0x66: {  	_ =	shalt  }
0x67: {  	_ =	shalt  }
0x68: {  	_ =	shalt  }
0x69: {  	_ =	shalt  }
0x6a: {  	_ =	shalt  }
0x6b: {  	_ =	shalt  }
0x6c: {  	_ =	shalt  }
0x6d: {  	_ =	shalt  }
0x6e: {  	_ =	shalt  }
0x6f: {  	_ =	shalt  }
0x70: {  	_ =	shalt  }
0x71: {  	_ =	shalt  }
0x72: {  	_ =	shalt  }
0x73: {  	_ =	shalt  }
0x74: {  	_ =	shalt  }
0x75: {  	_ =	shalt  }
0x76: {  	_ =	shalt  }
0x77: {  	_ =	shalt  }
0x78: {  	_ =	shalt  }
0x79: {  	_ =	shalt  }
0x7a: {  	_ =	shalt  }
0x7b: {  	_ =	shalt  }
0x7c: {  	_ =	shalt  }
0x7d: {  	_ =	shalt  }
0x7e: {  	_ =	shalt  }
0x7f: {  	_ =	shalt  }
0x80: {  	_ =	shalt  }
0x81: {  	_ =	shalt  }
0x82: {  	_ =	shalt  }
0x83: {  	_ =	shalt  }
0x84: {  	_ =	shalt  }
0x85: {  	_ =	shalt  }
0x86: {  	_ =	shalt  }
0x87: {  	_ =	shalt  }
.Lfunc_end0:
.L_simem_size_0:
called_computation_lowered:
.L_overlay_start_0:
0x88: {  	s2 =	sld [smem:$0x3FD9]  }
0x89: {  	s3 =	sld [smem:$0x3FFE];
	_ =	sdelay $0x1  }
0x8a: {  	s1 =	srdreg.scid  }
0x8b: {  	s0 =	sand.u32 $0x1, s1  }
0x8c: {  	s14 =	sshll.u32 s0, $0xA;
	s2 =	sadd.s32 s3, s2  }
0x8d: {  	s2 =	sadd.s32 s2, s14  }
0x8e: {  	[smem:$0x3FC2] =	sst s2  }
0x8f: {  	_ = 	snop  }
0x90: {  	s2 =	sld [smem:$0x3FC9]  }
0x91: {  	s15 =	sld [smem:$0x3FD0]  }
0x92: {  	s4 =	sld [smem:$0x3FC6]  }
0x93: {  	s5 =	sld [smem:$0x3FC5]  }
0x94: {  	s7 =	simm.s32 $0xA;
	s8 =	simm.s32 $0x10;
	s6 =	sld [smem:$0x3FC4]  }
0x95: {  	[smem:s8], [sflag:s7] =	dma.local [hbm:s15], $0x1  }
0x96: {  	_ =	swait.eq [sflag:s7], $0x1  }
0x97: {  	[sflag:s7] =	ssyncset.done $0x0  }
0x98: {  	s16 =	sld [smem:$0x10];
	[sflag:s7] =	ssyncadd.s32 $0xFFFFFFFF  }
0x99: {  	s17 =	sld [smem:$0x11];
	(tm) =	ssettm $0x1  }
0x9a: {  	s18 =	sld [smem:$0x3FFB];
	_ =	sdelay $0x3  }
0x9b: {  	_ =	strace s18  }
0x9c: {  	s8 =	sld [smem:$0x3FFC];
	_ =	sdelay $0x3  }
0x9d: {  	_ =	strace s8  }
0x9e: {  	s8 =	sld [smem:$0x3FFD];
	_ =	sdelay $0x3  }
0x9f: {  	_ =	strace s8  }
0xa0: {  	_ =	strace $0x8FFFFFFF  }
0xa1: {  	s19 =	sld [smem:$0x3FDB];
	_ =	sdelay $0x1  }
0xa2: {  	s9 =	simm.s32 $_scs_section_size  }
0xa3: {  	s10 =	simm.s32 $_size__tile_overlayer_lowered;
	s11 =	simm.s32 $_tile_overlayer_lowered  }
0xa4: {  	s22 =	simm.s32 $0x1BFF;
	s21 =	sshll.u32 s11, $0x1;
	s8 =	sadd.s32 s9, s19  }
0xa5: {  	s12 =	simm.s32 $0x0;
	s20 =	sshll.u32 s10, $0x1;
	s10 =	sadd.s32 s21, s8  }
0xa6: {  	[timem:s12], [sflag:s22] =	dma.local [hbm:s10], s20  }
0xa7: {  	_ =	swait.ge [sflag:s22], s20  }
0xa8: {  	s9 =	ssub.s32 $0x0, s20;
	[sflag:s22] =	ssyncset.done $0x0  }
0xa9: {  	[sflag:s22] =	ssyncadd.s32 s9;
	_ =	sdelay $0x1  }
0xaa: {  	s23 =	simm.s32 $0x1B8B  }
0xab: {  	_ =	swait.ge [sflag:s23], $0x1  }
0xac: {  	[sflag:s23] =	ssyncset.done $0x0  }
0xad: {  	s25 =	simm.s32 $0x1B8E;
	s24 =	sld [smem:$0x3FFE];
	[sflag:s23] =	ssyncadd.s32 $0xFFFFFFFF  }
0xae: {  	s26 =	simm.s32 $execute0_lowered;
	[smem:$0x3FD2] =	sst s25  }
0xaf: {  	s10 =	sshll.u32 s26, $0x1;
	_ =	strace $0x80000046;
	[dreg:$0x1] =	wrdreg $0xFFFFFFFF  }
0xb0: {  	s28 =	simm.s32 $_size_execute0_lowered;
	s8 =	sadd.s32 s8, s10;
	[dreg:$0x0] =	wrdreg $0x0  }
0xb1: {  	s10 =	sshll.u32 s28, $0x1;
	[dreg:$0x2] =	wrdreg s8  }
0xb2: {  	[dreg:$0x3] =	wrdreg s10  }
0xb3: {  	[dreg:$0x4] =	wrdreg $0xC0  }
0xb4: {  	_ =	task [dreg:s12], $0x5FFFF  }
0xb5: {  	[dreg:$0x1] =	wrdreg $0xFFFFFFFF  }
0xb6: {  	[dreg:$0x0] =	wrdreg $0x60  }
0xb7: {  	[dreg:$0x2] =	wrdreg s2  }
0xb8: {  	[dreg:$0x3] =	wrdreg s24  }
0xb9: {  	[dreg:$0x4] =	wrdreg s4  }
0xba: {  	[dreg:$0x5] =	wrdreg s5  }
0xbb: {  	[dreg:$0x6] =	wrdreg s6  }
0xbc: {  	[dreg:$0x7] =	wrdreg s16  }
0xbd: {  	[dreg:$0x8] =	wrdreg s17  }
0xbe: {  	[dreg:$0x9] =	wrdreg $0x0  }
0xbf: {  	[dreg:$0xa] =	wrdreg $0x140000  }
0xc0: {  	[dreg:$0xb] =	wrdreg $0x9  }
0xc1: {  	_ =	task.clear_ibuf [dreg:s12], $0xCFFFF;
	_ =	strace $0x90000046  }
0xc2: {  	s29 =	simm.s32 $0x9;
	_ =	strace $0x80000048  }
0xc3: {  	_ =	swait.ge [sflag:s29], $0x1  }
0xc4: {  	[sflag:s29] =	ssyncadd.s32 $0xFFFFFFFF  }
0xc5: {  	_ =	strace $0x90000048  }
0xc6: {  	_ =	sfence  }
0xc7: {  	s30 =	sld [smem:$0x0];
	_ =	sdelay $0x2  }
0xc8: {  	s31 =	sshll.u32 s1, $0xD;
	s1 =	sshrl.u32 s1, $0x2  }
0xc9: {  	s3 =	sand.u32 $0x4000, s31;
	s1 =	sadd.s32 s1, s30  }
0xca: {  	s0 =	sor.u32 s3, s0;
	s1 =	sshll.u32 s1, $0x11  }
0xcb: {  	s0 =	sor.u32 s1, s0  }
0xcc: {  	s0 =	sadd.s32 $0x8F2B, s0  }
0xcd: {  	[sflag:s0] =	ssyncadd.remote.s32 $0x1  }
0xce: {  	_ =	sfence.sel $0xFFFF  }
0xcf: {  	[dreg:$0x0] =	wrdreg $0xFFFFFFFF;
	(pc) =	sbr.abs _section_cstart, $3  }
0xd0: {  	[dreg:$0x1] =	wrdreg $0xFFFFFFFF  }
0xd1: {  	_ =	task.clear_ibuf [dreg:s12], $0x2FFFF;
	_ =	strace $0x9FFFFFFF  }
0xd2: {  	(tm) =	ssettm $0x7FFFFFFF  }
0xd3: {  	_ =	shalt  }
tec
execute0_lowered:
.L_overlay_start_1:
0x0: {  	(tag) =	ssettag $0x1  }
0x1: {  	s0 =	rddreg [dreg:$0x0]  }
0x2: {  	s1 =	rddreg [dreg:$0x1]  }
0x3: {  	s2 =	rddreg [dreg:$0x5]  }
0x4: {  	s3 =	rddreg [dreg:$0x6]  }
0x5: {  	s4 =	srdreg.scid;
	s6 =	rddreg [dreg:$0x7]  }
0x6: {  	s7 =	rddreg [dreg:$0x8];
	s16 =	stileid.u32;
	s8 =	simm.s32 $0x0  }
0x7: {  	s28 =	simm.s32 $0x80;
	s29 =	simm.s32 $0x16B80;
	s12 =	smul.u32 $0x50000, s16  }
0x8: {  	s30 =	simm.s32 $0x1;
	s31 =	simm.s32 $0x4;
	s14 =	smul.u32 $0xA00, s16  }
0x9: {  	s4 =	sand.u32 $0x1, s4;
	[smem:$0x7FF] =	sst s8;
	s15 =	smul.u32 $0x14000, s16  }
0xa: {  	s10 =	sadd.s32 $0x800, s1;
	s21 =	sshll.u32 s16, $0x6;
	s23 =	smul.u32 $0x500, s16  }
0xb: {  	s5 =	sshll.u32 s4, $0x4;
	_ =	strace $0x80000047;
	s11 =	ssub.s32 $0x2, s4  }
0xc: {  	s20 =	smul.u32 $0x140000, s4;
	s24 =	sshll.u32 s4, $0x7;
	s5 =	sor.u32 s16, s5  }
0xd: {  	s13 =	sshrl.u32 s11, $0x1;
	s19 =	sshrl.u32 s12, $0x2;
	s22 =	sshrl.u32 s14, $0x2  }
0xe: {  	s9 =	smul.u32 $0x2800, s5;
	s17 =	ssub.s32 s11, s13;
	s19 =	sadd.s32 s19, s6  }
0xf: {  	s11 =	sor.u32 $0x1C05, s21;
	s21 =	sadd.s32 s22, s7;
	s25 =	sadd.s32 s15, s20  }
0x10: {  	s20 =	simm.s32 $0x5;
	s22 =	simm.s32 $0x0;
	s4 =	sshrl.u32 s25, $0x3  }
0x11: {  	s26 =	smax.u32 s17, $0x1;
	s19 =	sshrl.u32 s19, $0x3;
	s21 =	sshrl.u32 s21, $0x3  }
0x12: {  	s25 =	simm.s32 $0x16B00;
	s5 =	sshrl.u32 s9, $0x3;
	s2 =	sadd.s32 s2, s4  }
0x13: {  	[dreg:$0xe] =	wrdreg s26;
	s26 =	simm.s32 $0x3;
	s4 =	simm.s32 $0x1AB80  }
0x14: {  	s1 =	sadd.s32 s5, s1;
	s13 =	sadd.s32 s10, s5;
	[dreg:$0xc] =	wrdreg s2  }
0x15: {  	s2 =	simm.s32 $0x16900;
	s1 =	sadd.s32 $0xA800, s1;
	s5 =	sadd.s32 $0x10, s13  }
0x16: {  	s18 =	sadd.s32 $0x4E0, s13;
	[dreg:$0xa] =	wrdreg s1;
	s1 =	sor.u32 s24, s23  }
0x17: {  	[dreg:$0xb] =	wrdreg s5;
	s23 =	simm.s32 $0x1EB80;
	s1 =	sshrl.u32 s1, $0x3  }
0x18: {  	s24 =	simm.s32 $0x16A80;
	s5 =	simm.s32 $0x2;
	s1 =	sadd.s32 s3, s1  }
0x19: {  	s3 =	simm.s32 $0x16980;
	[dreg:$0xd] =	wrdreg s1;
	s1 =	simm.s32 $0x16880  }
.LBB2_1:
0x1a: {  	s12 =	rddreg [dreg:$0x2]  }
0x1b: {  	[spmem:s19], [sflag:s11] =	dma.local [hbm:s12], $0x2800  }
0x1c: {  	_ =	swait.ge [sflag:s20], $0x2800  }
0x1d: {  	[sflag:s20] =	ssyncset.done $0x0  }
0x1e: {  	[sflag:s20] =	ssyncadd.s32 $0xFFFFD800  }
0x1f: {  	s16 =	rddreg [dreg:$0x3]  }
0x20: {  	[spmem:s21], [sflag:s11] =	dma.local [hbm:s16], $0x50  }
0x21: {  	_ =	swait.ge [sflag:s20], $0x50  }
0x22: {  	[sflag:s20] =	ssyncset.done $0x0  }
0x23: {  	s14 =	simm.s32 $0x14280;
	s17 =	rddreg [dreg:$0xa];
	[sflag:s20] =	ssyncadd.s32 $0xFFFFFFB0  }
0x24: {  	[tilespmem:s14], [sflag:$0x5] =	stream.linear.gather [hbm4b:s17+s8], $0x2780, $0x38;
	[tilespmem:$0x1EC00] =	vst v63  }
0x25: {  	_ =	swait.ge [sflag:s20], $0x2780  }
0x26: {  	[sflag:s20] =	ssyncset.done $0x0  }
0x27: {  	[sflag:s20] =	ssyncadd.s32 $0xFFFFD880  }
0x28: {  	s14 =	rddreg [dreg:$0x4]  }
0x29: {  	[tilespmem:s23], [sflag:$0x5] =	stream.linear.gather [hbm4b:s14+s8], $0x80, $0x38;
	[tilespmem:$0x1EC00] =	vst v63  }
0x2a: {  	_ =	swait.ge [sflag:s20], $0x80  }
0x2b: {  	[sflag:s20] =	ssyncset.done $0x0  }
0x2c: {  	[sflag:s20] =	ssyncadd.s32 $0xFFFFFF80  }
0x2d: {  	[bflag:$0x0] =	sbarrier.arrive $0xFFFF  }
0x2e: {  	[tilespmem:s24], [sflag:$0x3] =	stream.linear.gather [hbm4b:s13+s8], $0x80, $0x38;
	[tilespmem:$0x1EC00] =	vst v63  }
0x2f: {  	s15 =	rddreg [dreg:$0xb]  }
0x30: {  	[tilespmem:s25], [sflag:$0x4] =	stream.linear.gather [hbm4b:s15+s8], $0x80, $0x38;
	[tilespmem:$0x1EC00] =	vst v63  }
0x31: {  	_ =	swait.ge [sflag:s26], $0x80  }
0x32: {  	[sflag:s26] =	ssyncset.done $0x0  }
0x33: {  	[sflag:s26] =	ssyncadd.s32 $0xFFFFFF80  }
0x34: {  	[tilespmem:s29], [sflag:$0x1] =	stream.indirect.gather [hbm4b:s0+s28], $0x80, s24, s28, $0xb8;
	[tilespmem:$0x1EC00] =	vst v63  }
0x35: {  	_ =	swait.ge [sflag:s30], $0x4000  }
0x36: {  	s16 =	simm.s32 $0x100;
	[sflag:s30] =	ssyncset.done $0x0  }
0x37: {  	s17 =	sand.u32 $0x7C00, s16;
	[sflag:s30] =	ssyncadd.s32 $0xFFFFC000  }
0x38: {  	s12 =	sand.u32 $0x300, s16;
	s14 =	sadd.s32 s9, s17;
	_ =	swait.ge [sflag:s31], $0x80  }
0x39: {  	s12 =	sor.u32 s12, s14;
	[sflag:s31] =	ssyncset.done $0x0  }
0x3a: {  	s12 =	sshrl.u32 s12, $0x3;
	[sflag:s31] =	ssyncadd.s32 $0xFFFFFF80  }
0x3b: {  	[tilespmem:s4], [sflag:$0x2] =	stream.indirect.gather [hbm4b:s0+s28], $0x80, s25, s28, $0xb8;
	[tilespmem:$0x1EC00] =	vst v63  }
0x3c: {  	s12 =	sadd.s32 s10, s12  }
0x3d: {  	[tilespmem:s24], [sflag:$0x3] =	stream.linear.gather [hbm4b:s12+s8], $0x80, $0x38;
	[tilespmem:$0x1EC00] =	vst v63  }
0x3e: {  	s15 =	simm.s32 $0x14280  }
0x3f: {  	[spmem:s6] =	stream.indirect.scatter.add.f32 [tilespmem:s29], [sflag:$0x5], $0x80, s15, s28, $0xb8;
	[tilespmem:$0x1EC00] =	vst v63  }
0x40: {  	_ =	swait.ge [sflag:s20], $0x4000  }
0x41: {  	[sflag:s20] =	ssyncset.done $0x0  }
0x42: {  	[sflag:s20] =	ssyncadd.s32 $0xFFFFC000  }
0x43: {  	[spmem:s7] =	stream.indirect.scatter.add.f32 [tilespmem:s23], [sflag:$0x5], $0x1, s15, s28, $0xb8;
	[tilespmem:$0x1EC00] =	vst v63  }
0x44: {  	_ =	swait.ge [sflag:s20], $0x80  }
0x45: {  	[sflag:s20] =	ssyncset.done $0x0  }
0x46: {  	[sflag:s20] =	ssyncadd.s32 $0xFFFFFF80  }
0x47: {  	_ =	swait.ge [sflag:s5], $0x4000  }
0x48: {  	s16 =	simm.s32 $0x180;
	[sflag:s5] =	ssyncset.done $0x0  }
0x49: {  	s17 =	sand.u32 $0x7C00, s16;
	[sflag:s5] =	ssyncadd.s32 $0xFFFFC000  }
0x4a: {  	s14 =	sadd.s32 s9, s17;
	s12 =	sand.u32 $0x380, s16;
	_ =	swait.ge [sflag:s26], $0x80  }
0x4b: {  	s12 =	sor.u32 s12, s14;
	[sflag:s26] =	ssyncset.done $0x0  }
0x4c: {  	s12 =	sshrl.u32 s12, $0x3;
	[sflag:s26] =	ssyncadd.s32 $0xFFFFFF80  }
0x4d: {  	[tilespmem:s29], [sflag:$0x1] =	stream.indirect.gather [hbm4b:s0+s28], $0x80, s24, s28, $0xb8;
	[tilespmem:$0x1EC00] =	vst v63  }
0x4e: {  	s12 =	sadd.s32 s10, s12  }
0x4f: {  	[tilespmem:s25], [sflag:$0x4] =	stream.linear.gather [hbm4b:s12+s8], $0x80, $0x38;
	[tilespmem:$0x1EC00] =	vst v63  }
0x50: {  	s12 =	simm.s32 $0x14300  }
0x51: {  	[spmem:s6] =	stream.indirect.scatter.add.f32 [tilespmem:s4], [sflag:$0x5], $0x80, s12, s28, $0xb8;
	[tilespmem:$0x1EC00] =	vst v63  }
0x52: {  	_ =	swait.ge [sflag:s20], $0x4000  }
0x53: {  	[sflag:s20] =	ssyncset.done $0x0  }
0x54: {  	[sflag:s20] =	ssyncadd.s32 $0xFFFFC000  }
0x55: {  	[spmem:s7] =	stream.indirect.scatter.add.f32 [tilespmem:s23], [sflag:$0x5], $0x1, s12, s28, $0xb8;
	[tilespmem:$0x1EC00] =	vst v63  }
0x56: {  	s14 =	simm.s32 $0x280;
	_ =	swait.ge [sflag:s20], $0x80  }
.LBB2_2:
0x57: {  	p0 =	sne.s32 s14, $0x2680;
	[sflag:s20] =	ssyncset.done $0x0;
	s12 =	sadd.s32 $0x100, s12  }
0x58: {  	s15 =	smov.u32 s14;
	s14 =	sadd.s32 $0x100, s14;
	[sflag:s20] =	ssyncadd.s32 $0xFFFFFF80  }
0x59: {  	_ =	swait.ge [sflag:s30], $0x4000  }
0x5a: {  	s16 =	sadd.s32 $0xFFFFFF80, s15;
	[sflag:s30] =	ssyncset.done $0x0  }
0x5b: {  	s17 =	sand.u32 $0x7C00, s16;
	[sflag:s30] =	ssyncadd.s32 $0xFFFFC000  }
0x5c: {  	s16 =	sand.u32 $0x300, s16;
	s17 =	sadd.s32 s9, s17;
	_ =	swait.ge [sflag:s31], $0x80  }
0x5d: {  	s16 =	sor.u32 s16, s17;
	[sflag:s31] =	ssyncset.done $0x0  }
0x5e: {  	s16 =	sshrl.u32 s16, $0x3;
	[sflag:s31] =	ssyncadd.s32 $0xFFFFFF80  }
0x5f: {  	[tilespmem:s4], [sflag:$0x2] =	stream.indirect.gather [hbm4b:s0+s28], $0x80, s25, s28, $0xb8;
	[tilespmem:$0x1EC00] =	vst v63  }
0x60: {  	s17 =	sadd.s32 $0xFFFFFF80, s12;
	s16 =	sadd.s32 s10, s16  }
0x61: {  	[tilespmem:s24], [sflag:$0x3] =	stream.linear.gather [hbm4b:s16+s8], $0x80, $0x38;
	[tilespmem:$0x1EC00] =	vst v63  }
0x62: {  	_ = 	snop  }
0x63: {  	[spmem:s6] =	stream.indirect.scatter.add.f32 [tilespmem:s29], [sflag:$0x5], $0x80, s17, s28, $0xb8;
	[tilespmem:$0x1EC00] =	vst v63  }
0x64: {  	_ =	swait.ge [sflag:s20], $0x4000  }
0x65: {  	[sflag:s20] =	ssyncset.done $0x0  }
0x66: {  	[sflag:s20] =	ssyncadd.s32 $0xFFFFC000  }
0x67: {  	[spmem:s7] =	stream.indirect.scatter.add.f32 [tilespmem:s23], [sflag:$0x5], $0x1, s17, s28, $0xb8;
	[tilespmem:$0x1EC00] =	vst v63  }
0x68: {  	_ =	swait.ge [sflag:s20], $0x80  }
0x69: {  	[sflag:s20] =	ssyncset.done $0x0  }
0x6a: {  	[sflag:s20] =	ssyncadd.s32 $0xFFFFFF80  }
0x6b: {  	_ =	swait.ge [sflag:s5], $0x4000  }
0x6c: {  	[sflag:s5] =	ssyncset.done $0x0  }
0x6d: {  	s16 =	sand.u32 $0x7C00, s15;
	[sflag:s5] =	ssyncadd.s32 $0xFFFFC000  }
0x6e: {  	s15 =	sand.u32 $0x380, s15;
	s16 =	sadd.s32 s9, s16;
	_ =	swait.ge [sflag:s26], $0x80  }
0x6f: {  	s15 =	sor.u32 s15, s16;
	[sflag:s26] =	ssyncset.done $0x0  }
0x70: {  	s15 =	sshrl.u32 s15, $0x3;
	[sflag:s26] =	ssyncadd.s32 $0xFFFFFF80  }
0x71: {  	[tilespmem:s29], [sflag:$0x1] =	stream.indirect.gather [hbm4b:s0+s28], $0x80, s24, s28, $0xb8;
	[tilespmem:$0x1EC00] =	vst v63  }
0x72: {  	s15 =	sadd.s32 s10, s15  }
0x73: {  	[tilespmem:s25], [sflag:$0x4] =	stream.linear.gather [hbm4b:s15+s8], $0x80, $0x38;
	[tilespmem:$0x1EC00] =	vst v63  }
0x74: {  	_ = 	snop  }
0x75: {  	[spmem:s6] =	stream.indirect.scatter.add.f32 [tilespmem:s4], [sflag:$0x5], $0x80, s12, s28, $0xb8;
	[tilespmem:$0x1EC00] =	vst v63  }
.Ltmp0:
0x76: {  	_ =	swait.ge [sflag:s20], $0x4000;
	(pc) =	sbr.rel @p0 .LBB2_2-.Ltmp0, $4  }
0x77: {  	[sflag:s20] =	ssyncset.done $0x0  }
0x78: {  	[sflag:s20] =	ssyncadd.s32 $0xFFFFC000  }
0x79: {  	[spmem:s7] =	stream.indirect.scatter.add.f32 [tilespmem:s23], [sflag:$0x5], $0x1, s12, s28, $0xb8;
	[tilespmem:$0x1EC00] =	vst v63  }
0x7a: {  	_ =	swait.ge [sflag:s20], $0x80  }
0x7b: {  	[sflag:s20] =	ssyncset.done $0x0  }
0x7c: {  	[sflag:s20] =	ssyncadd.s32 $0xFFFFFF80  }
0x7d: {  	_ =	swait.ge [sflag:s30], $0x4000  }
0x7e: {  	[sflag:s30] =	ssyncset.done $0x0  }
0x7f: {  	[sflag:s30] =	ssyncadd.s32 $0xFFFFC000  }
0x80: {  	_ =	swait.ge [sflag:s31], $0x80  }
0x81: {  	[sflag:s31] =	ssyncset.done $0x0  }
0x82: {  	[sflag:s31] =	ssyncadd.s32 $0xFFFFFF80  }
0x83: {  	[tilespmem:s4], [sflag:$0x2] =	stream.indirect.gather [hbm4b:s0+s28], $0x80, s25, s28, $0xb8;
	[tilespmem:$0x1EC00] =	vst v63  }
0x84: {  	_ = 	snop  }
0x85: {  	[tilespmem:s24], [sflag:$0x3] =	stream.linear.gather [hbm4b:s18+s8], $0x80, $0x38;
	[tilespmem:$0x1EC00] =	vst v63  }
0x86: {  	_ = 	snop  }
0x87: {  	[spmem:s6] =	stream.indirect.scatter.add.f32 [tilespmem:s29], [sflag:$0x5], $0x80, s1, s28, $0xb8;
	[tilespmem:$0x1EC00] =	vst v63  }
0x88: {  	_ =	swait.ge [sflag:s20], $0x4000  }
0x89: {  	[sflag:s20] =	ssyncset.done $0x0  }
0x8a: {  	[sflag:s20] =	ssyncadd.s32 $0xFFFFC000  }
0x8b: {  	[spmem:s7] =	stream.indirect.scatter.add.f32 [tilespmem:s23], [sflag:$0x5], $0x1, s1, s28, $0xb8;
	[tilespmem:$0x1EC00] =	vst v63  }
0x8c: {  	_ =	swait.ge [sflag:s20], $0x80  }
0x8d: {  	[sflag:s20] =	ssyncset.done $0x0  }
0x8e: {  	[sflag:s20] =	ssyncadd.s32 $0xFFFFFF80  }
0x8f: {  	_ =	swait.ge [sflag:s5], $0x4000  }
0x90: {  	[sflag:s5] =	ssyncset.done $0x0  }
0x91: {  	[sflag:s5] =	ssyncadd.s32 $0xFFFFC000  }
0x92: {  	_ =	swait.ge [sflag:s26], $0x80  }
0x93: {  	[sflag:s26] =	ssyncset.done $0x0  }
0x94: {  	[sflag:s26] =	ssyncadd.s32 $0xFFFFFF80  }
0x95: {  	[tilespmem:s29], [sflag:$0x1] =	stream.indirect.gather [hbm4b:s0+s28], $0x80, s24, s28, $0xb8;
	[tilespmem:$0x1EC00] =	vst v63  }
0x96: {  	_ = 	snop  }
0x97: {  	[tilespmem:s25], [sflag:$0x4] =	stream.linear.gather [hbm4b:s18+s8], $0x80, $0x38;
	[tilespmem:$0x1EC00] =	vst v63  }
0x98: {  	_ = 	snop  }
0x99: {  	[spmem:s6] =	stream.indirect.scatter.add.f32 [tilespmem:s4], [sflag:$0x5], $0x80, s2, s28, $0xb8;
	[tilespmem:$0x1EC00] =	vst v63  }
0x9a: {  	_ =	swait.ge [sflag:s20], $0x4000  }
0x9b: {  	[sflag:s20] =	ssyncset.done $0x0  }
0x9c: {  	[sflag:s20] =	ssyncadd.s32 $0xFFFFC000  }
0x9d: {  	[spmem:s7] =	stream.indirect.scatter.add.f32 [tilespmem:s23], [sflag:$0x5], $0x1, s2, s28, $0xb8;
	[tilespmem:$0x1EC00] =	vst v63  }
0x9e: {  	_ =	swait.ge [sflag:s20], $0x80  }
0x9f: {  	[sflag:s20] =	ssyncset.done $0x0  }
0xa0: {  	[sflag:s20] =	ssyncadd.s32 $0xFFFFFF80  }
0xa1: {  	_ =	swait.ge [sflag:s30], $0x4000  }
0xa2: {  	[sflag:s30] =	ssyncset.done $0x0  }
0xa3: {  	[sflag:s30] =	ssyncadd.s32 $0xFFFFC000  }
0xa4: {  	_ =	swait.ge [sflag:s31], $0x80  }
0xa5: {  	[sflag:s31] =	ssyncset.done $0x0  }
0xa6: {  	[sflag:s31] =	ssyncadd.s32 $0xFFFFFF80  }
0xa7: {  	[spmem:s6] =	stream.indirect.scatter.add.f32 [tilespmem:s29], [sflag:$0x5], $0x80, s3, s28, $0xb8;
	[tilespmem:$0x1EC00] =	vst v63  }
0xa8: {  	_ =	swait.ge [sflag:s20], $0x4000  }
0xa9: {  	[sflag:s20] =	ssyncset.done $0x0  }
0xaa: {  	[sflag:s20] =	ssyncadd.s32 $0xFFFFC000  }
0xab: {  	[spmem:s7] =	stream.indirect.scatter.add.f32 [tilespmem:s23], [sflag:$0x5], $0x1, s3, s28, $0xb8;
	[tilespmem:$0x1EC00] =	vst v63  }
0xac: {  	_ =	swait.ge [sflag:s20], $0x80  }
0xad: {  	[sflag:s20] =	ssyncset.done $0x0  }
0xae: {  	[sflag:s20] =	ssyncadd.s32 $0xFFFFFF80  }
0xaf: {  	[bflag:$0x0] =	sbarrier.arrive $0xFFFF  }
0xb0: {  	s12 =	rddreg [dreg:$0xc]  }
0xb1: {  	[hbm:s12], [sflag:s11] =	dma.local [spmem:s19], $0x2800  }
0xb2: {  	_ =	swait.ge [sflag:s20], $0x2800  }
0xb3: {  	s14 =	simm.s32 $0x20;
	[sflag:s20] =	ssyncset.done $0x0  }
0xb4: {  	s15 =	simm.s32 $0x10;
	s16 =	rddreg [dreg:$0xd];
	[sflag:s20] =	ssyncadd.s32 $0xFFFFD800  }
0xb5: {  	[hbm:s16@s14], [sflag:s11] =	dma.strided [spmem:s21@s15], $0x50, s30, $0x10   }
0xb6: {  	_ =	swait.ge [sflag:s20], $0x50  }
0xb7: {  	s22 =	sadd.s32 $0x1, s22;
	s17 =	rddreg [dreg:$0xe]  }
0xb8: {  	p0 =	sne.s32 s22, s17  }
.Ltmp1:
0xb9: {  	_ = 	snop;
	(pc) =	sbr.rel @p0 .LBB2_1-.Ltmp1, $3  }
0xba: {  	_ =	sdelay $0x1  }
0xbb: {  	[sflag:s20] =	ssyncset.done $0x0  }
0xbc: {  	[sflag:s20] =	ssyncadd.s32 $0xFFFFFFB0  }
0xbd: {  	_ =	sfence.sel $0x180000  }
0xbe: {  	[bflag:$0x0] =	sbarrier.arrive $0xFFFF  }
0xbf: {  	_ =	strace $0x90000047  }
0xc0: {  	s0 =	stileid.u32;
	[bflag:$0x2] =	sbarrier.arrive $0xFFFF  }
0xc1: {  	p0 =	sne.s32 s0, $0x0;
	s0 =	rddreg [dreg:$0x9]  }
0xc2: {  	s0 =	sadd.s32 @!p0 $0x100000, s0  }
0xc3: {  	[sflag:s0] =	ssyncadd.tile.s32 @!p0 $0x1;
	_ =	shalt  }
.Lfunc_end2:
_tile_overlayer_lowered:
.L_overlay_start_2:
0xc4: {  	(tag) =	ssettag $0x2  }
0xc5: {  	s0 =	rddreg [dreg:$0x0];
	s2 =	stileid.u32  }
0xc6: {  	s1 =	rddreg [dreg:$0x1];
	p0 =	sne.s32 s2, $0x0  }
0xc7: {  	s3 =	rddreg [dreg:$0x2];
	[bflag:$0x3] =	sbarrier.arrive $0xFFFF;
	s2 =	simm.s32 @!p0 $0x1C05  }
0xc8: {  	[timem:s3], [sflag:s2] =	dma.local @!p0 [hbm:s0], s1  }
0xc9: {  	s0 =	simm.s32 @!p0 $0x5  }
0xca: {  	_ =	swait.ge @!p0 [sflag:s0], s1  }
0xcb: {  	s1 =	ssub.s32 @!p0 $0x0, s1;
	[sflag:s0] =	ssyncset.done @!p0 $0x0  }
0xcc: {  	[sflag:s0] =	ssyncadd.s32 @!p0 s1  }
0xcd: {  	[bflag:$0x3] =	sbarrier.arrive $0xFFFF  }
0xce: {  	_ =	shalt  }

</sc_bundles>
